<compile_context>
chip_gen: v7x
topology: tpu7x:2x2x1
jax: 0.10.2.dev20260603
libtpu: 0.0.44.dev20260713+nightly
codegen_flags: <defaults>
</compile_context>

<pallas_src>
import functools

import jax
import jax.numpy as jnp
from jax import lax
from jax.experimental import pallas as pl
from jax.experimental.pallas import tpu as pltpu
from jax.experimental.pallas import tpu_sc as plsc

_NUM_USERS = 4000
_NUM_ITEMS = 6000
_F = 128
_N = _NUM_USERS + _NUM_ITEMS
_E = 320000
_LAYERS = 3

_NC = 2
_NS = 16
_W = _NC * _NS
_EPW = _E // _W
_K = 80
_NCHUNK = _EPW // _K
_NP = 10240
_RPT = _NP // _NS
_NH = 10240
_HPT = _NH // _NS

@functools.cache
def _get_mesh():
    return plsc.VectorSubcoreMesh(core_axis_name="c", subcore_axis_name="s",
                                  num_cores=_NC, num_subcores=_NS)


def _hist_body(src_hbm, dst_hbm, zeros_hbm, out_hbm,
               hist_r, hist_c, sidx2, didx2, ones_v, sem_r, sem_c):
    ci = lax.axis_index("c")
    si = lax.axis_index("s")
    wid = ci * _NS + si

    ones16 = jnp.full((16,), 1.0, dtype=jnp.float32)
    for j in range(_K // 16):
        ones_v[pl.ds(j * 16, 16)] = ones16

    pltpu.sync_copy(zeros_hbm.at[pl.ds(si * _HPT, _HPT)],
                    hist_r.at[pl.ds(si * _HPT, _HPT)])
    pltpu.sync_copy(zeros_hbm.at[pl.ds(si * _HPT, _HPT)],
                    hist_c.at[pl.ds(si * _HPT, _HPT)])
    pltpu.sync_copy(src_hbm.at[wid], sidx2)
    pltpu.sync_copy(dst_hbm.at[wid], didx2)
    plsc.subcore_barrier()

    def fire(t):
        pltpu.async_copy(ones_v, hist_r.at[didx2.at[t]], sem_r, add=True)
        pltpu.async_copy(ones_v, hist_c.at[sidx2.at[t]], sem_c, add=True)

    def drain(t):
        pltpu.make_async_copy(ones_v, hist_r.at[didx2.at[t]], sem_r).wait()
        pltpu.make_async_copy(ones_v, hist_c.at[sidx2.at[t]], sem_c).wait()

    fire(0)

    def chunk(t, carry):
        fire(t)
        drain(t - 1)
        return carry

    lax.fori_loop(1, _NCHUNK, chunk, 0)
    drain(_NCHUNK - 1)
    plsc.subcore_barrier()

    pltpu.sync_copy(hist_r.at[pl.ds(si * _HPT, _HPT)],
                    out_hbm.at[pl.ds(2 * ci * _NH + si * _HPT, _HPT)])
    pltpu.sync_copy(hist_c.at[pl.ds(si * _HPT, _HPT)],
                    out_hbm.at[pl.ds((2 * ci + 1) * _NH + si * _HPT, _HPT)])


@functools.cache
def _get_hist():
    return pl.kernel(
        _hist_body,
        out_type=jax.ShapeDtypeStruct((4 * _NH,), jnp.float32),
        mesh=_get_mesh(),
        scratch_types=[
            pltpu.VMEM_SHARED((_NH,), jnp.float32),
            pltpu.VMEM_SHARED((_NH,), jnp.float32),
            pltpu.VMEM((_NCHUNK, _K), jnp.int32),
            pltpu.VMEM((_NCHUNK, _K), jnp.int32),
            pltpu.VMEM((_K,), jnp.float32),
            pltpu.SemaphoreType.DMA,
            pltpu.SemaphoreType.DMA,
        ],
    )


def _spmm_body(gath_hbm, src_hbm, dst_hbm, zeros_hbm, out_hbm,
               acc_sh, sidx_v, didx_v, rows0, rows1, gsem0, gsem1):
    ci = lax.axis_index("c")
    si = lax.axis_index("s")
    wid = ci * _NS + si

    pltpu.sync_copy(zeros_hbm.at[pl.ds(si * _RPT, _RPT)],
                    acc_sh.at[pl.ds(si * _RPT, _RPT)])
    pltpu.sync_copy(src_hbm.at[pl.ds(wid * _EPW, _EPW)], sidx_v)
    pltpu.sync_copy(dst_hbm.at[wid], didx_v)
    plsc.subcore_barrier()

    def gather(t, buf, sem):
        return pltpu.async_copy(gath_hbm.at[sidx_v.at[pl.ds(t * _K, _K)]],
                                buf, sem)

    def scatter(t, buf):
        pltpu.sync_copy(buf, acc_sh.at[didx_v.at[t]], add=True)

    gather(0, rows0, gsem0)

    def pair(i, carry):
        t0 = 2 * i
        gather(t0 + 1, rows1, gsem1)
        pltpu.make_async_copy(gath_hbm.at[sidx_v.at[pl.ds(t0 * _K, _K)]],
                              rows0, gsem0).wait()
        scatter(t0, rows0)
        gather(t0 + 2, rows0, gsem0)
        pltpu.make_async_copy(gath_hbm.at[sidx_v.at[pl.ds((t0 + 1) * _K, _K)]],
                              rows1, gsem1).wait()
        scatter(t0 + 1, rows1)
        return carry

    lax.fori_loop(0, (_NCHUNK - 1) // 2, pair, 0)
    t_last = _NCHUNK - 1
    pltpu.make_async_copy(gath_hbm.at[sidx_v.at[pl.ds(t_last * _K, _K)]],
                          rows0, gsem0).wait()
    scatter(t_last, rows0)
    plsc.subcore_barrier()

    pltpu.sync_copy(acc_sh.at[pl.ds(si * _RPT, _RPT)],
                    out_hbm.at[pl.ds(ci * _NP + si * _RPT, _RPT)])


@functools.cache
def _get_spmm():
    return pl.kernel(
        _spmm_body,
        out_type=jax.ShapeDtypeStruct((2 * _NP, _F), jnp.float32),
        mesh=_get_mesh(),
        scratch_types=[
            pltpu.VMEM_SHARED((_NP, _F), jnp.float32),
            pltpu.VMEM((_EPW,), jnp.int32),
            pltpu.VMEM((_NCHUNK, _K), jnp.int32),
            pltpu.VMEM((_K, _F), jnp.float32),
            pltpu.VMEM((_K, _F), jnp.float32),
            pltpu.SemaphoreType.DMA,
            pltpu.SemaphoreType.DMA,
        ],
    )


def _scale_body(hp_ref, out_ref):
    hp = hp_ref[...]
    r = lax.rsqrt(jnp.maximum(hp[0] + hp[2], 1.0))
    c = lax.rsqrt(jnp.maximum(hp[1] + hp[3], 1.0))
    out_ref[...] = jnp.stack([r, c, r * c])


_scale = pl.pallas_call(
    _scale_body,
    out_shape=jax.ShapeDtypeStruct((3, _NH), jnp.float32),
)


_EWB = 1000


def _ew_body(p0_ref, p1_ref, acc_ref, rv_ref, rcv_ref, accn_ref, g_ref):
    comb = p0_ref[...] + p1_ref[...]
    accn_ref[...] = acc_ref[...] + rv_ref[...] * comb
    g_ref[...] = rcv_ref[...] * comb


def _ew_last_body(p0_ref, p1_ref, acc_ref, rv_ref, accn_ref):
    accn_ref[...] = acc_ref[...] + rv_ref[...] * (p0_ref[...] + p1_ref[...])


_row_spec = pl.BlockSpec((_EWB, _F), lambda i: (i, 0))
_col_spec = pl.BlockSpec((_EWB, 1), lambda i: (i, 0))

_ew = pl.pallas_call(
    _ew_body,
    grid=(_N // _EWB,),
    in_specs=[_row_spec, _row_spec, _row_spec, _col_spec, _col_spec],
    out_specs=[_row_spec, _row_spec],
    out_shape=[jax.ShapeDtypeStruct((_N, _F), jnp.float32),
               jax.ShapeDtypeStruct((_N, _F), jnp.float32)],
)

_ew_last = pl.pallas_call(
    _ew_last_body,
    grid=(_N // _EWB,),
    in_specs=[_row_spec, _row_spec, _row_spec, _col_spec],
    out_specs=_row_spec,
    out_shape=jax.ShapeDtypeStruct((_N, _F), jnp.float32),
)


def kernel(edge_index, user_emb, item_emb):
    src = edge_index[0]
    dst = edge_index[1]
    src_r = src.reshape(_W, _NCHUNK, _K)
    dst_r = dst.reshape(_W, _NCHUNK, _K)
    feat = jnp.concatenate([user_emb, item_emb], axis=0)
    zeros_nh = jnp.zeros((_NH,), jnp.float32)
    zeros_nf = jnp.zeros((_N, _F), jnp.float32)
    zeros_npf = jnp.zeros((_NP, _F), jnp.float32)
    ones_col = jnp.ones((_N, 1), jnp.float32)

    hp = _get_hist()(src_r, dst_r, zeros_nh).reshape(4, _NH)
    scl = _scale(hp)
    r_col = scl[0, :_N, None]
    c_col = scl[1, :_N, None]
    rc_col = scl[2, :_N, None]

    acc, gath = _ew(feat, zeros_nf, zeros_nf, ones_col, c_col)
    for layer in range(_LAYERS):
        p = _get_spmm()(gath, src, dst_r, zeros_npf)
        p0 = p[:_N]
        p1 = p[_NP:_NP + _N]
        if layer < _LAYERS - 1:
            acc, gath = _ew(p0, p1, acc, r_col, rc_col)
        else:
            acc = _ew_last(p0, p1, acc, r_col)

    return acc[:_NUM_USERS], acc[_NUM_USERS:]

# --- scband reference (transcript-rebuilt; emitter-appended) ---
"""Pipeline reference for scband-light-gcn-30554397343958 (READ-ONLY COPY).

The authoritative reference and input builder live on the scoring server;
editing this copy changes nothing except your own understanding.
"""

import jax, jax.numpy as jnp
import numpy as np

NUM_USERS = 4000
NUM_ITEMS = 6000
NUM_FEATURES = 128
NUM_LAYERS = 3
N_EDGES = 320000
N_NODES = NUM_USERS + NUM_ITEMS


def setup_inputs(seed: int = 0) -> dict:
    key = jax.random.key(seed)
    k1, k2, k3 = jax.random.split(key, 3)
    edge_index = jax.random.randint(k1, (2, N_EDGES), 0, N_NODES, dtype=jnp.int32)
    user_emb = jax.random.normal(k2, (NUM_USERS, NUM_FEATURES), dtype=jnp.float32)
    item_emb = jax.random.normal(k3, (NUM_ITEMS, NUM_FEATURES), dtype=jnp.float32)
    return {"edge_index": edge_index, "user_emb": user_emb, "item_emb": item_emb}


def reference(edge_index, user_emb, item_emb):
    # graph.norm_adj(): symmetric-normalized sparse adjacency D^-1/2 A D^-1/2
    # represented by edge list. Edge (src -> dst) is entry A[dst, src].
    src = edge_index[0]
    dst = edge_index[1]
    deg_row = jnp.zeros((N_NODES,), dtype=jnp.float32).at[dst].add(1.0)
    deg_col = jnp.zeros((N_NODES,), dtype=jnp.float32).at[src].add(1.0)
    w = jax.lax.rsqrt(jnp.maximum(deg_row[dst], 1.0) * jnp.maximum(deg_col[src], 1.0))

    features = jnp.concatenate([user_emb, item_emb], axis=0)
    acc = features  # sum over layer outputs (incl. layer 0 embeddings)
    cur = features
    for _ in range(NUM_LAYERS):
        # torch.mm(norm_adj, features) as gather + scatter-add SpMM
        msgs = w[:, None] * jnp.take(cur, src, axis=0)
        cur = jnp.zeros_like(cur).at[dst].add(msgs)
        acc = acc + cur
    users_embeddings = acc[:NUM_USERS]
    items_embeddings = acc[NUM_USERS:]
    return (users_embeddings, items_embeddings)

if __name__ == "__main__":
    import jax
    _d = setup_inputs()
    print(jax.jit(kernel)(*tuple(_d.values())))

</pallas_src>

<mosaic_0001>
#map = affine_map<(d0, d1) -> (0, 0)>
#map1 = affine_map<(d0, d1) -> (0)>
#map2 = affine_map<(d0, d1) -> (0, 0, 0)>
module attributes {stable_mosaic.version = 14 : i64} {
  func.func @_spmm_body(%arg0: i32, %arg1: i32, %arg2: memref<10000x128xf32, #tpu.memory_space<hbm>>, %arg3: memref<320000xi32, #tpu.memory_space<hbm>>, %arg4: memref<32x125x80xi32, #tpu.memory_space<hbm>>, %arg5: memref<10240x128xf32, #tpu.memory_space<hbm>>, %arg6: memref<20480x128xf32, #tpu.memory_space<hbm>>, %arg7: memref<10240x128xf32, #tpu.memory_space<vmem_shared>>, %arg8: memref<10000xi32, #tpu.memory_space<vmem>>, %arg9: memref<125x80xi32, #tpu.memory_space<vmem>>, %arg10: memref<80x128xf32, #tpu.memory_space<vmem>>, %arg11: memref<80x128xf32, #tpu.memory_space<vmem>>, %arg12: memref<!tpu.dma_semaphore, #tpu.memory_space<semaphore_mem>>, %arg13: memref<!tpu.dma_semaphore, #tpu.memory_space<semaphore_mem>>) attributes {dimension_semantics = [#tpu.dimension_semantics<core_parallel>, #tpu.dimension_semantics<subcore_parallel>], iteration_bounds = array<i64: 2, 16>, scalar_prefetch = 0 : i64, scratch_operands = 7 : i64, tpu.core_type = #tpu.core_type<sc_vector_subcore>, window_params = [{transform_indices = #map}, {transform_indices = #map1}, {transform_indices = #map2}, {transform_indices = #map}, {transform_indices = #map}]} {
    %mul3A = arith.constant 16 : i32
    %mul3A_0 = arith.muli %arg0, %mul3A : i32
    %add3A = arith.addi %mul3A_0, %arg1 : i32
    %mul3A_1 = arith.constant 640 : i32
    %mul3A_2 = arith.muli %arg1, %mul3A_1 : i32
    %mul3A_3 = arith.constant 640 : i32
    %mul3A_4 = arith.muli %arg1, %mul3A_3 : i32
    "tpu.region"() ({
      %run_scoped3A_28 = tpu.sem_alloc : memref<!tpu.dma_semaphore, #tpu.memory_space<semaphore_mem>>
      %dma_start3A_29 = arith.constant 0 : i32
      %dma_start3A_30 = tpu.memref_slice %arg7[%mul3A_4, %dma_start3A_29] : memref<10240x128xf32, #tpu.memory_space<vmem_shared>> -> memref<640x128xf32, #tpu.memory_space<vmem_shared>>
      %dma_start3A_31 = arith.constant 0 : i32
      %dma_start3A_32 = tpu.memref_slice %arg5[%mul3A_2, %dma_start3A_31] : memref<10240x128xf32, #tpu.memory_space<hbm>> -> memref<640x128xf32, #tpu.memory_space<hbm>>
      tpu.enqueue_dma source(%dma_start3A_32 : memref<640x128xf32, #tpu.memory_space<hbm>>) target(%dma_start3A_30 : memref<640x128xf32, #tpu.memory_space<vmem_shared>>) target_semaphore(%run_scoped3A_28 : memref<!tpu.dma_semaphore, #tpu.memory_space<semaphore_mem>>)
      %dma_wait3A_33 = arith.constant 0 : i32
      %dma_wait3A_34 = tpu.memref_slice %arg7[%mul3A_4, %dma_wait3A_33] : memref<10240x128xf32, #tpu.memory_space<vmem_shared>> -> memref<640x128xf32, #tpu.memory_space<vmem_shared>>
      %dma_wait3A_35 = arith.constant 0 : i32
      %dma_wait3A_36 = tpu.memref_slice %arg5[%mul3A_2, %dma_wait3A_35] : memref<10240x128xf32, #tpu.memory_space<hbm>> -> memref<640x128xf32, #tpu.memory_space<hbm>>
      tpu.wait_dma2 semaphore(%run_scoped3A_28 : memref<!tpu.dma_semaphore, #tpu.memory_space<semaphore_mem>>) src(%dma_wait3A_36 : memref<640x128xf32, #tpu.memory_space<hbm>>) dst(%dma_wait3A_34 : memref<640x128xf32, #tpu.memory_space<vmem_shared>>)
      tpu.yield
    }) : () -> ()
    %mul3A_5 = arith.constant 10000 : i32
    %mul3A_6 = arith.muli %add3A, %mul3A_5 : i32
    "tpu.region"() ({
      %run_scoped3A_28 = tpu.sem_alloc : memref<!tpu.dma_semaphore, #tpu.memory_space<semaphore_mem>>
      %dma_start3A_29 = tpu.memref_slice %arg3[%mul3A_6] : memref<320000xi32, #tpu.memory_space<hbm>> -> memref<10000xi32, #tpu.memory_space<hbm>>
      %dma_start3A_30 = tpu.memref_slice %arg3[%mul3A_6] : memref<320000xi32, #tpu.memory_space<hbm>> -> memref<10000xi32, #tpu.memory_space<hbm>>
      tpu.enqueue_dma source(%dma_start3A_30 : memref<10000xi32, #tpu.memory_space<hbm>>) target(%arg8 : memref<10000xi32, #tpu.memory_space<vmem>>) target_semaphore(%run_scoped3A_28 : memref<!tpu.dma_semaphore, #tpu.memory_space<semaphore_mem>>)
      %dma_wait3A_31 = tpu.memref_slice %arg3[%mul3A_6] : memref<320000xi32, #tpu.memory_space<hbm>> -> memref<10000xi32, #tpu.memory_space<hbm>>
      %dma_wait3A_32 = tpu.memref_slice %arg3[%mul3A_6] : memref<320000xi32, #tpu.memory_space<hbm>> -> memref<10000xi32, #tpu.memory_space<hbm>>
      tpu.wait_dma2 semaphore(%run_scoped3A_28 : memref<!tpu.dma_semaphore, #tpu.memory_space<semaphore_mem>>) src(%dma_wait3A_32 : memref<10000xi32, #tpu.memory_space<hbm>>) dst(%arg8 : memref<10000xi32, #tpu.memory_space<vmem>>)
      tpu.yield
    }) : () -> ()
    "tpu.region"() ({
      %run_scoped3A_28 = tpu.sem_alloc : memref<!tpu.dma_semaphore, #tpu.memory_space<semaphore_mem>>
      %dma_start3A_29 = arith.constant 0 : i32
      %dma_start3A_30 = arith.constant 0 : i32
      %dma_start3A_31 = tpu.memref_slice %arg4[%add3A, %dma_start3A_29, %dma_start3A_30] : memref<32x125x80xi32, #tpu.memory_space<hbm>> -> memref<1x125x80xi32, #tpu.memory_space<hbm>>
      %dma_start3A_32 = tpu.memref_squeeze %dma_start3A_31 : memref<1x125x80xi32, #tpu.memory_space<hbm>> -> memref<125x80xi32, #tpu.memory_space<hbm>>
      %dma_start3A_33 = arith.constant 0 : i32
      %dma_start3A_34 = arith.constant 0 : i32
      %dma_start3A_35 = tpu.memref_slice %arg4[%add3A, %dma_start3A_33, %dma_start3A_34] : memref<32x125x80xi32, #tpu.memory_space<hbm>> -> memref<1x125x80xi32, #tpu.memory_space<hbm>>
      %dma_start3A_36 = tpu.memref_squeeze %dma_start3A_35 : memref<1x125x80xi32, #tpu.memory_space<hbm>> -> memref<125x80xi32, #tpu.memory_space<hbm>>
      tpu.enqueue_dma source(%dma_start3A_36 : memref<125x80xi32, #tpu.memory_space<hbm>>) target(%arg9 : memref<125x80xi32, #tpu.memory_space<vmem>>) target_semaphore(%run_scoped3A_28 : memref<!tpu.dma_semaphore, #tpu.memory_space<semaphore_mem>>)
      %dma_wait3A_37 = arith.constant 0 : i32
      %dma_wait3A_38 = arith.constant 0 : i32
      %dma_wait3A_39 = tpu.memref_slice %arg4[%add3A, %dma_wait3A_37, %dma_wait3A_38] : memref<32x125x80xi32, #tpu.memory_space<hbm>> -> memref<1x125x80xi32, #tpu.memory_space<hbm>>
      %dma_wait3A_40 = tpu.memref_squeeze %dma_wait3A_39 : memref<1x125x80xi32, #tpu.memory_space<hbm>> -> memref<125x80xi32, #tpu.memory_space<hbm>>
      %dma_wait3A_41 = arith.constant 0 : i32
      %dma_wait3A_42 = arith.constant 0 : i32
      %dma_wait3A_43 = tpu.memref_slice %arg4[%add3A, %dma_wait3A_41, %dma_wait3A_42] : memref<32x125x80xi32, #tpu.memory_space<hbm>> -> memref<1x125x80xi32, #tpu.memory_space<hbm>>
      %dma_wait3A_44 = tpu.memref_squeeze %dma_wait3A_43 : memref<1x125x80xi32, #tpu.memory_space<hbm>> -> memref<125x80xi32, #tpu.memory_space<hbm>>
      tpu.wait_dma2 semaphore(%run_scoped3A_28 : memref<!tpu.dma_semaphore, #tpu.memory_space<semaphore_mem>>) src(%dma_wait3A_44 : memref<125x80xi32, #tpu.memory_space<hbm>>) dst(%arg9 : memref<125x80xi32, #tpu.memory_space<vmem>>)
      tpu.yield
    }) : () -> ()
    %barrier3A = arith.constant 0 : index
    tpu.barrier barrier_id(%barrier3A)
    %dma_start3A = arith.constant 0 : i32
    %dma_start3A_7 = tpu.memref_slice %arg8[%dma_start3A] : memref<10000xi32, #tpu.memory_space<vmem>> -> memref<80xi32, #tpu.memory_space<vmem>>
    %dma_start3A_8 = arith.constant 0 : i32
    %dma_start3A_9 = arith.constant 0 : i32
    %dma_start3A_10 = tpu.memref_slice %arg2[%dma_start3A_8, %dma_start3A_9] : memref<10000x128xf32, #tpu.memory_space<hbm>> -> memref<10000x128xf32, #tpu.memory_space<hbm>>
    tpu.enqueue_indirect_dma source(%dma_start3A_10 : memref<10000x128xf32, #tpu.memory_space<hbm>>) target(%arg10 : memref<80x128xf32, #tpu.memory_space<vmem>>) offsets(%dma_start3A_7 : memref<80xi32, #tpu.memory_space<vmem>>) semaphore(%arg12 : memref<!tpu.dma_semaphore, #tpu.memory_space<semaphore_mem>>)
    %scan3A = arith.constant 0 : i32
    %scan3A_11 = arith.constant 0 : i32
    %scan3A_12 = arith.constant 62 : i32
    %scan3A_13 = arith.addi %scan3A_11, %scan3A_12 : i32
    %scan3A_14 = arith.constant 1 : i32
    scf.for %scan3A_28 = %scan3A_11 to %scan3A_13 step %scan3A_14  : i32 {
      %mul3A_29 = arith.constant 2 : i32
      %mul3A_30 = arith.muli %mul3A_29, %scan3A_28 : i32
      %add3A_31 = arith.constant 1 : i32
      %add3A_32 = arith.addi %mul3A_30, %add3A_31 : i32
      %mul3A_33 = arith.constant 80 : i32
      %mul3A_34 = arith.muli %add3A_32, %mul3A_33 : i32
      %dma_start3A_35 = tpu.memref_slice %arg8[%mul3A_34] : memref<10000xi32, #tpu.memory_space<vmem>> -> memref<80xi32, #tpu.memory_space<vmem>>
      %dma_start3A_36 = arith.constant 0 : i32
      %dma_start3A_37 = arith.constant 0 : i32
      %dma_start3A_38 = tpu.memref_slice %arg2[%dma_start3A_36, %dma_start3A_37] : memref<10000x128xf32, #tpu.memory_space<hbm>> -> memref<10000x128xf32, #tpu.memory_space<hbm>>
      tpu.enqueue_indirect_dma source(%dma_start3A_38 : memref<10000x128xf32, #tpu.memory_space<hbm>>) target(%arg11 : memref<80x128xf32, #tpu.memory_space<vmem>>) offsets(%dma_start3A_35 : memref<80xi32, #tpu.memory_space<vmem>>) semaphore(%arg13 : memref<!tpu.dma_semaphore, #tpu.memory_space<semaphore_mem>>)
      %mul3A_39 = arith.constant 80 : i32
      %mul3A_40 = arith.muli %mul3A_30, %mul3A_39 : i32
      %dma_wait3A_41 = tpu.memref_slice %arg8[%mul3A_40] : memref<10000xi32, #tpu.memory_space<vmem>> -> memref<80xi32, #tpu.memory_space<vmem>>
      %dma_wait3A_42 = arith.constant 0 : i32
      %dma_wait3A_43 = arith.constant 0 : i32
      %dma_wait3A_44 = tpu.memref_slice %arg2[%dma_wait3A_42, %dma_wait3A_43] : memref<10000x128xf32, #tpu.memory_space<hbm>> -> memref<10000x128xf32, #tpu.memory_space<hbm>>
      tpu.wait_indirect_dma semaphore(%arg12 : memref<!tpu.dma_semaphore, #tpu.memory_space<semaphore_mem>>) src(%dma_wait3A_44 : memref<10000x128xf32, #tpu.memory_space<hbm>>) dst(%arg10 : memref<80x128xf32, #tpu.memory_space<vmem>>)
      "tpu.region"() ({
        %run_scoped3A_63 = tpu.sem_alloc : memref<!tpu.dma_semaphore, #tpu.memory_space<semaphore_mem>>
        %dma_start3A_64 = arith.constant 0 : i32
        %dma_start3A_65 = tpu.memref_slice %arg9[%mul3A_30, %dma_start3A_64] : memref<125x80xi32, #tpu.memory_space<vmem>> -> memref<1x80xi32, #tpu.memory_space<vmem>>
        %dma_start3A_66 = tpu.memref_squeeze %dma_start3A_65 : memref<1x80xi32, #tpu.memory_space<vmem>> -> memref<80xi32, #tpu.memory_space<vmem>>
        %dma_start3A_67 = arith.constant 0 : i32
        %dma_start3A_68 = arith.constant 0 : i32
        %dma_start3A_69 = tpu.memref_slice %arg7[%dma_start3A_67, %dma_start3A_68] : memref<10240x128xf32, #tpu.memory_space<vmem_shared>> -> memref<10240x128xf32, #tpu.memory_space<vmem_shared>>
        tpu.enqueue_indirect_dma source(%arg10 : memref<80x128xf32, #tpu.memory_space<vmem>>) target(%dma_start3A_69 : memref<10240x128xf32, #tpu.memory_space<vmem_shared>>) offsets(%dma_start3A_66 : memref<80xi32, #tpu.memory_space<vmem>>) semaphore(%run_scoped3A_63 : memref<!tpu.dma_semaphore, #tpu.memory_space<semaphore_mem>>) {add = true}
        %dma_wait3A_70 = arith.constant 0 : i32
        %dma_wait3A_71 = tpu.memref_slice %arg9[%mul3A_30, %dma_wait3A_70] : memref<125x80xi32, #tpu.memory_space<vmem>> -> memref<1x80xi32, #tpu.memory_space<vmem>>
        %dma_wait3A_72 = tpu.memref_squeeze %dma_wait3A_71 : memref<1x80xi32, #tpu.memory_space<vmem>> -> memref<80xi32, #tpu.memory_space<vmem>>
        %dma_wait3A_73 = arith.constant 0 : i32
        %dma_wait3A_74 = arith.constant 0 : i32
        %dma_wait3A_75 = tpu.memref_slice %arg7[%dma_wait3A_73, %dma_wait3A_74] : memref<10240x128xf32, #tpu.memory_space<vmem_shared>> -> memref<10240x128xf32, #tpu.memory_space<vmem_shared>>
        tpu.wait_indirect_dma semaphore(%run_scoped3A_63 : memref<!tpu.dma_semaphore, #tpu.memory_space<semaphore_mem>>) src(%arg10 : memref<80x128xf32, #tpu.memory_space<vmem>>) dst(%dma_wait3A_75 : memref<10240x128xf32, #tpu.memory_space<vmem_shared>>)
        tpu.yield
      }) : () -> ()
      %add3A_45 = arith.constant 2 : i32
      %add3A_46 = arith.addi %mul3A_30, %add3A_45 : i32
      %mul3A_47 = arith.constant 80 : i32
      %mul3A_48 = arith.muli %add3A_46, %mul3A_47 : i32
      %dma_start3A_49 = tpu.memref_slice %arg8[%mul3A_48] : memref<10000xi32, #tpu.memory_space<vmem>> -> memref<80xi32, #tpu.memory_space<vmem>>
      %dma_start3A_50 = arith.constant 0 : i32
      %dma_start3A_51 = arith.constant 0 : i32
      %dma_start3A_52 = tpu.memref_slice %arg2[%dma_start3A_50, %dma_start3A_51] : memref<10000x128xf32, #tpu.memory_space<hbm>> -> memref<10000x128xf32, #tpu.memory_space<hbm>>
      tpu.enqueue_indirect_dma source(%dma_start3A_52 : memref<10000x128xf32, #tpu.memory_space<hbm>>) target(%arg10 : memref<80x128xf32, #tpu.memory_space<vmem>>) offsets(%dma_start3A_49 : memref<80xi32, #tpu.memory_space<vmem>>) semaphore(%arg12 : memref<!tpu.dma_semaphore, #tpu.memory_space<semaphore_mem>>)
      %add3A_53 = arith.constant 1 : i32
      %add3A_54 = arith.addi %mul3A_30, %add3A_53 : i32
      %mul3A_55 = arith.constant 80 : i32
      %mul3A_56 = arith.muli %add3A_54, %mul3A_55 : i32
      %dma_wait3A_57 = tpu.memref_slice %arg8[%mul3A_56] : memref<10000xi32, #tpu.memory_space<vmem>> -> memref<80xi32, #tpu.memory_space<vmem>>
      %dma_wait3A_58 = arith.constant 0 : i32
      %dma_wait3A_59 = arith.constant 0 : i32
      %dma_wait3A_60 = tpu.memref_slice %arg2[%dma_wait3A_58, %dma_wait3A_59] : memref<10000x128xf32, #tpu.memory_space<hbm>> -> memref<10000x128xf32, #tpu.memory_space<hbm>>
      tpu.wait_indirect_dma semaphore(%arg13 : memref<!tpu.dma_semaphore, #tpu.memory_space<semaphore_mem>>) src(%dma_wait3A_60 : memref<10000x128xf32, #tpu.memory_space<hbm>>) dst(%arg11 : memref<80x128xf32, #tpu.memory_space<vmem>>)
      %add3A_61 = arith.constant 1 : i32
      %add3A_62 = arith.addi %mul3A_30, %add3A_61 : i32
      "tpu.region"() ({
        %run_scoped3A_63 = tpu.sem_alloc : memref<!tpu.dma_semaphore, #tpu.memory_space<semaphore_mem>>
        %dma_start3A_64 = arith.constant 0 : i32
        %dma_start3A_65 = tpu.memref_slice %arg9[%add3A_62, %dma_start3A_64] : memref<125x80xi32, #tpu.memory_space<vmem>> -> memref<1x80xi32, #tpu.memory_space<vmem>>
        %dma_start3A_66 = tpu.memref_squeeze %dma_start3A_65 : memref<1x80xi32, #tpu.memory_space<vmem>> -> memref<80xi32, #tpu.memory_space<vmem>>
        %dma_start3A_67 = arith.constant 0 : i32
        %dma_start3A_68 = arith.constant 0 : i32
        %dma_start3A_69 = tpu.memref_slice %arg7[%dma_start3A_67, %dma_start3A_68] : memref<10240x128xf32, #tpu.memory_space<vmem_shared>> -> memref<10240x128xf32, #tpu.memory_space<vmem_shared>>
        tpu.enqueue_indirect_dma source(%arg11 : memref<80x128xf32, #tpu.memory_space<vmem>>) target(%dma_start3A_69 : memref<10240x128xf32, #tpu.memory_space<vmem_shared>>) offsets(%dma_start3A_66 : memref<80xi32, #tpu.memory_space<vmem>>) semaphore(%run_scoped3A_63 : memref<!tpu.dma_semaphore, #tpu.memory_space<semaphore_mem>>) {add = true}
        %dma_wait3A_70 = arith.constant 0 : i32
        %dma_wait3A_71 = tpu.memref_slice %arg9[%add3A_62, %dma_wait3A_70] : memref<125x80xi32, #tpu.memory_space<vmem>> -> memref<1x80xi32, #tpu.memory_space<vmem>>
        %dma_wait3A_72 = tpu.memref_squeeze %dma_wait3A_71 : memref<1x80xi32, #tpu.memory_space<vmem>> -> memref<80xi32, #tpu.memory_space<vmem>>
        %dma_wait3A_73 = arith.constant 0 : i32
        %dma_wait3A_74 = arith.constant 0 : i32
        %dma_wait3A_75 = tpu.memref_slice %arg7[%dma_wait3A_73, %dma_wait3A_74] : memref<10240x128xf32, #tpu.memory_space<vmem_shared>> -> memref<10240x128xf32, #tpu.memory_space<vmem_shared>>
        tpu.wait_indirect_dma semaphore(%run_scoped3A_63 : memref<!tpu.dma_semaphore, #tpu.memory_space<semaphore_mem>>) src(%arg11 : memref<80x128xf32, #tpu.memory_space<vmem>>) dst(%dma_wait3A_75 : memref<10240x128xf32, #tpu.memory_space<vmem_shared>>)
        tpu.yield
      }) : () -> ()
    }
    %scan3A_15 = arith.constant 62 : i32
    %dma_wait3A = arith.constant 9920 : i32
    %dma_wait3A_16 = tpu.memref_slice %arg8[%dma_wait3A] : memref<10000xi32, #tpu.memory_space<vmem>> -> memref<80xi32, #tpu.memory_space<vmem>>
    %dma_wait3A_17 = arith.constant 0 : i32
    %dma_wait3A_18 = arith.constant 0 : i32
    %dma_wait3A_19 = tpu.memref_slice %arg2[%dma_wait3A_17, %dma_wait3A_18] : memref<10000x128xf32, #tpu.memory_space<hbm>> -> memref<10000x128xf32, #tpu.memory_space<hbm>>
    tpu.wait_indirect_dma semaphore(%arg12 : memref<!tpu.dma_semaphore, #tpu.memory_space<semaphore_mem>>) src(%dma_wait3A_19 : memref<10000x128xf32, #tpu.memory_space<hbm>>) dst(%arg10 : memref<80x128xf32, #tpu.memory_space<vmem>>)
    %run_scoped3A = arith.constant 124 : i32
    "tpu.region"() ({
      %run_scoped3A_28 = tpu.sem_alloc : memref<!tpu.dma_semaphore, #tpu.memory_space<semaphore_mem>>
      %dma_start3A_29 = arith.constant 0 : i32
      %dma_start3A_30 = tpu.memref_slice %arg9[%run_scoped3A, %dma_start3A_29] : memref<125x80xi32, #tpu.memory_space<vmem>> -> memref<1x80xi32, #tpu.memory_space<vmem>>
      %dma_start3A_31 = tpu.memref_squeeze %dma_start3A_30 : memref<1x80xi32, #tpu.memory_space<vmem>> -> memref<80xi32, #tpu.memory_space<vmem>>
      %dma_start3A_32 = arith.constant 0 : i32
      %dma_start3A_33 = arith.constant 0 : i32
      %dma_start3A_34 = tpu.memref_slice %arg7[%dma_start3A_32, %dma_start3A_33] : memref<10240x128xf32, #tpu.memory_space<vmem_shared>> -> memref<10240x128xf32, #tpu.memory_space<vmem_shared>>
      tpu.enqueue_indirect_dma source(%arg10 : memref<80x128xf32, #tpu.memory_space<vmem>>) target(%dma_start3A_34 : memref<10240x128xf32, #tpu.memory_space<vmem_shared>>) offsets(%dma_start3A_31 : memref<80xi32, #tpu.memory_space<vmem>>) semaphore(%run_scoped3A_28 : memref<!tpu.dma_semaphore, #tpu.memory_space<semaphore_mem>>) {add = true}
      %dma_wait3A_35 = arith.constant 0 : i32
      %dma_wait3A_36 = tpu.memref_slice %arg9[%run_scoped3A, %dma_wait3A_35] : memref<125x80xi32, #tpu.memory_space<vmem>> -> memref<1x80xi32, #tpu.memory_space<vmem>>
      %dma_wait3A_37 = tpu.memref_squeeze %dma_wait3A_36 : memref<1x80xi32, #tpu.memory_space<vmem>> -> memref<80xi32, #tpu.memory_space<vmem>>
      %dma_wait3A_38 = arith.constant 0 : i32
      %dma_wait3A_39 = arith.constant 0 : i32
      %dma_wait3A_40 = tpu.memref_slice %arg7[%dma_wait3A_38, %dma_wait3A_39] : memref<10240x128xf32, #tpu.memory_space<vmem_shared>> -> memref<10240x128xf32, #tpu.memory_space<vmem_shared>>
      tpu.wait_indirect_dma semaphore(%run_scoped3A_28 : memref<!tpu.dma_semaphore, #tpu.memory_space<semaphore_mem>>) src(%arg10 : memref<80x128xf32, #tpu.memory_space<vmem>>) dst(%dma_wait3A_40 : memref<10240x128xf32, #tpu.memory_space<vmem_shared>>)
      tpu.yield
    }) : () -> ()
    %barrier3A_20 = arith.constant 0 : index
    tpu.barrier barrier_id(%barrier3A_20)
    %mul3A_21 = arith.constant 640 : i32
    %mul3A_22 = arith.muli %arg1, %mul3A_21 : i32
    %mul3A_23 = arith.constant 10240 : i32
    %mul3A_24 = arith.muli %arg0, %mul3A_23 : i32
    %mul3A_25 = arith.constant 640 : i32
    %mul3A_26 = arith.muli %arg1, %mul3A_25 : i32
    %add3A_27 = arith.addi %mul3A_24, %mul3A_26 : i32
    "tpu.region"() ({
      %run_scoped3A_28 = tpu.sem_alloc : memref<!tpu.dma_semaphore, #tpu.memory_space<semaphore_mem>>
      %dma_start3A_29 = arith.constant 0 : i32
      %dma_start3A_30 = tpu.memref_slice %arg6[%add3A_27, %dma_start3A_29] : memref<20480x128xf32, #tpu.memory_space<hbm>> -> memref<640x128xf32, #tpu.memory_space<hbm>>
      %dma_start3A_31 = arith.constant 0 : i32
      %dma_start3A_32 = tpu.memref_slice %arg7[%mul3A_22, %dma_start3A_31] : memref<10240x128xf32, #tpu.memory_space<vmem_shared>> -> memref<640x128xf32, #tpu.memory_space<vmem_shared>>
      tpu.enqueue_dma source(%dma_start3A_32 : memref<640x128xf32, #tpu.memory_space<vmem_shared>>) target(%dma_start3A_30 : memref<640x128xf32, #tpu.memory_space<hbm>>) target_semaphore(%run_scoped3A_28 : memref<!tpu.dma_semaphore, #tpu.memory_space<semaphore_mem>>)
      %dma_wait3A_33 = arith.constant 0 : i32
      %dma_wait3A_34 = tpu.memref_slice %arg6[%add3A_27, %dma_wait3A_33] : memref<20480x128xf32, #tpu.memory_space<hbm>> -> memref<640x128xf32, #tpu.memory_space<hbm>>
      %dma_wait3A_35 = arith.constant 0 : i32
      %dma_wait3A_36 = tpu.memref_slice %arg7[%mul3A_22, %dma_wait3A_35] : memref<10240x128xf32, #tpu.memory_space<vmem_shared>> -> memref<640x128xf32, #tpu.memory_space<vmem_shared>>
      tpu.wait_dma2 semaphore(%run_scoped3A_28 : memref<!tpu.dma_semaphore, #tpu.memory_space<semaphore_mem>>) src(%dma_wait3A_36 : memref<640x128xf32, #tpu.memory_space<vmem_shared>>) dst(%dma_wait3A_34 : memref<640x128xf32, #tpu.memory_space<hbm>>)
      tpu.yield
    }) : () -> ()
    return
  }
}

#map = affine_map<(d0, d1) -> (0, 0)>
#map1 = affine_map<(d0, d1) -> (0)>
#map2 = affine_map<(d0, d1) -> (0, 0, 0)>
module attributes {stable_mosaic.version = 14 : i64} {
  func.func @_spmm_body(%arg0: i32, %arg1: i32, %arg2: memref<10000x128xf32, #tpu.memory_space<hbm>>, %arg3: memref<320000xi32, #tpu.memory_space<hbm>>, %arg4: memref<32x125x80xi32, #tpu.memory_space<hbm>>, %arg5: memref<10240x128xf32, #tpu.memory_space<hbm>>, %arg6: memref<20480x128xf32, #tpu.memory_space<hbm>>, %arg7: memref<10240x128xf32, #tpu.memory_space<vmem_shared>>, %arg8: memref<10000xi32, #tpu.memory_space<vmem>>, %arg9: memref<125x80xi32, #tpu.memory_space<vmem>>, %arg10: memref<80x128xf32, #tpu.memory_space<vmem>>, %arg11: memref<80x128xf32, #tpu.memory_space<vmem>>, %arg12: memref<!tpu.dma_semaphore, #tpu.memory_space<semaphore_mem>>, %arg13: memref<!tpu.dma_semaphore, #tpu.memory_space<semaphore_mem>>) attributes {dimension_semantics = [#tpu.dimension_semantics<core_parallel>, #tpu.dimension_semantics<subcore_parallel>], iteration_bounds = array<i64: 2, 16>, scalar_prefetch = 0 : i64, scratch_operands = 7 : i64, tpu.core_type = #tpu.core_type<sc_vector_subcore>, window_params = [{transform_indices = #map}, {transform_indices = #map1}, {transform_indices = #map2}, {transform_indices = #map}, {transform_indices = #map}]} {
    %mul3A = arith.constant 16 : i32
    %mul3A_0 = arith.muli %arg0, %mul3A : i32
    %add3A = arith.addi %mul3A_0, %arg1 : i32
    %mul3A_1 = arith.constant 640 : i32
    %mul3A_2 = arith.muli %arg1, %mul3A_1 : i32
    %mul3A_3 = arith.constant 640 : i32
    %mul3A_4 = arith.muli %arg1, %mul3A_3 : i32
    "tpu.region"() ({
      %run_scoped3A_28 = tpu.sem_alloc : memref<!tpu.dma_semaphore, #tpu.memory_space<semaphore_mem>>
      %dma_start3A_29 = arith.constant 0 : i32
      %dma_start3A_30 = tpu.memref_slice %arg7[%mul3A_4, %dma_start3A_29] : memref<10240x128xf32, #tpu.memory_space<vmem_shared>> -> memref<640x128xf32, #tpu.memory_space<vmem_shared>>
      %dma_start3A_31 = arith.constant 0 : i32
      %dma_start3A_32 = tpu.memref_slice %arg5[%mul3A_2, %dma_start3A_31] : memref<10240x128xf32, #tpu.memory_space<hbm>> -> memref<640x128xf32, #tpu.memory_space<hbm>>
      tpu.enqueue_dma source(%dma_start3A_32 : memref<640x128xf32, #tpu.memory_space<hbm>>) target(%dma_start3A_30 : memref<640x128xf32, #tpu.memory_space<vmem_shared>>) target_semaphore(%run_scoped3A_28 : memref<!tpu.dma_semaphore, #tpu.memory_space<semaphore_mem>>)
      %dma_wait3A_33 = arith.constant 0 : i32
      %dma_wait3A_34 = tpu.memref_slice %arg7[%mul3A_4, %dma_wait3A_33] : memref<10240x128xf32, #tpu.memory_space<vmem_shared>> -> memref<640x128xf32, #tpu.memory_space<vmem_shared>>
      %dma_wait3A_35 = arith.constant 0 : i32
      %dma_wait3A_36 = tpu.memref_slice %arg5[%mul3A_2, %dma_wait3A_35] : memref<10240x128xf32, #tpu.memory_space<hbm>> -> memref<640x128xf32, #tpu.memory_space<hbm>>
      tpu.wait_dma2 semaphore(%run_scoped3A_28 : memref<!tpu.dma_semaphore, #tpu.memory_space<semaphore_mem>>) src(%dma_wait3A_36 : memref<640x128xf32, #tpu.memory_space<hbm>>) dst(%dma_wait3A_34 : memref<640x128xf32, #tpu.memory_space<vmem_shared>>)
      tpu.yield
    }) : () -> ()
    %mul3A_5 = arith.constant 10000 : i32
    %mul3A_6 = arith.muli %add3A, %mul3A_5 : i32
    "tpu.region"() ({
      %run_scoped3A_28 = tpu.sem_alloc : memref<!tpu.dma_semaphore, #tpu.memory_space<semaphore_mem>>
      %dma_start3A_29 = tpu.memref_slice %arg3[%mul3A_6] : memref<320000xi32, #tpu.memory_space<hbm>> -> memref<10000xi32, #tpu.memory_space<hbm>>
      %dma_start3A_30 = tpu.memref_slice %arg3[%mul3A_6] : memref<320000xi32, #tpu.memory_space<hbm>> -> memref<10000xi32, #tpu.memory_space<hbm>>
      tpu.enqueue_dma source(%dma_start3A_30 : memref<10000xi32, #tpu.memory_space<hbm>>) target(%arg8 : memref<10000xi32, #tpu.memory_space<vmem>>) target_semaphore(%run_scoped3A_28 : memref<!tpu.dma_semaphore, #tpu.memory_space<semaphore_mem>>)
      %dma_wait3A_31 = tpu.memref_slice %arg3[%mul3A_6] : memref<320000xi32, #tpu.memory_space<hbm>> -> memref<10000xi32, #tpu.memory_space<hbm>>
      %dma_wait3A_32 = tpu.memref_slice %arg3[%mul3A_6] : memref<320000xi32, #tpu.memory_space<hbm>> -> memref<10000xi32, #tpu.memory_space<hbm>>
      tpu.wait_dma2 semaphore(%run_scoped3A_28 : memref<!tpu.dma_semaphore, #tpu.memory_space<semaphore_mem>>) src(%dma_wait3A_32 : memref<10000xi32, #tpu.memory_space<hbm>>) dst(%arg8 : memref<10000xi32, #tpu.memory_space<vmem>>)
      tpu.yield
    }) : () -> ()
    "tpu.region"() ({
      %run_scoped3A_28 = tpu.sem_alloc : memref<!tpu.dma_semaphore, #tpu.memory_space<semaphore_mem>>
      %dma_start3A_29 = arith.constant 0 : i32
      %dma_start3A_30 = arith.constant 0 : i32
      %dma_start3A_31 = tpu.memref_slice %arg4[%add3A, %dma_start3A_29, %dma_start3A_30] : memref<32x125x80xi32, #tpu.memory_space<hbm>> -> memref<1x125x80xi32, #tpu.memory_space<hbm>>
      %dma_start3A_32 = tpu.memref_squeeze %dma_start3A_31 : memref<1x125x80xi32, #tpu.memory_space<hbm>> -> memref<125x80xi32, #tpu.memory_space<hbm>>
      %dma_start3A_33 = arith.constant 0 : i32
      %dma_start3A_34 = arith.constant 0 : i32
      %dma_start3A_35 = tpu.memref_slice %arg4[%add3A, %dma_start3A_33, %dma_start3A_34] : memref<32x125x80xi32, #tpu.memory_space<hbm>> -> memref<1x125x80xi32, #tpu.memory_space<hbm>>
      %dma_start3A_36 = tpu.memref_squeeze %dma_start3A_35 : memref<1x125x80xi32, #tpu.memory_space<hbm>> -> memref<125x80xi32, #tpu.memory_space<hbm>>
      tpu.enqueue_dma source(%dma_start3A_36 : memref<125x80xi32, #tpu.memory_space<hbm>>) target(%arg9 : memref<125x80xi32, #tpu.memory_space<vmem>>) target_semaphore(%run_scoped3A_28 : memref<!tpu.dma_semaphore, #tpu.memory_space<semaphore_mem>>)
      %dma_wait3A_37 = arith.constant 0 : i32
      %dma_wait3A_38 = arith.constant 0 : i32
      %dma_wait3A_39 = tpu.memref_slice %arg4[%add3A, %dma_wait3A_37, %dma_wait3A_38] : memref<32x125x80xi32, #tpu.memory_space<hbm>> -> memref<1x125x80xi32, #tpu.memory_space<hbm>>
      %dma_wait3A_40 = tpu.memref_squeeze %dma_wait3A_39 : memref<1x125x80xi32, #tpu.memory_space<hbm>> -> memref<125x80xi32, #tpu.memory_space<hbm>>
      %dma_wait3A_41 = arith.constant 0 : i32
      %dma_wait3A_42 = arith.constant 0 : i32
      %dma_wait3A_43 = tpu.memref_slice %arg4[%add3A, %dma_wait3A_41, %dma_wait3A_42] : memref<32x125x80xi32, #tpu.memory_space<hbm>> -> memref<1x125x80xi32, #tpu.memory_space<hbm>>
      %dma_wait3A_44 = tpu.memref_squeeze %dma_wait3A_43 : memref<1x125x80xi32, #tpu.memory_space<hbm>> -> memref<125x80xi32, #tpu.memory_space<hbm>>
      tpu.wait_dma2 semaphore(%run_scoped3A_28 : memref<!tpu.dma_semaphore, #tpu.memory_space<semaphore_mem>>) src(%dma_wait3A_44 : memref<125x80xi32, #tpu.memory_space<hbm>>) dst(%arg9 : memref<125x80xi32, #tpu.memory_space<vmem>>)
      tpu.yield
    }) : () -> ()
    %barrier3A = arith.constant 0 : index
    tpu.barrier barrier_id(%barrier3A)
    %dma_start3A = arith.constant 0 : i32
    %dma_start3A_7 = tpu.memref_slice %arg8[%dma_start3A] : memref<10000xi32, #tpu.memory_space<vmem>> -> memref<80xi32, #tpu.memory_space<vmem>>
    %dma_start3A_8 = arith.constant 0 : i32
    %dma_start3A_9 = arith.constant 0 : i32
    %dma_start3A_10 = tpu.memref_slice %arg2[%dma_start3A_8, %dma_start3A_9] : memref<10000x128xf32, #tpu.memory_space<hbm>> -> memref<10000x128xf32, #tpu.memory_space<hbm>>
    tpu.enqueue_indirect_dma source(%dma_start3A_10 : memref<10000x128xf32, #tpu.memory_space<hbm>>) target(%arg10 : memref<80x128xf32, #tpu.memory_space<vmem>>) offsets(%dma_start3A_7 : memref<80xi32, #tpu.memory_space<vmem>>) semaphore(%arg12 : memref<!tpu.dma_semaphore, #tpu.memory_space<semaphore_mem>>)
    %scan3A = arith.constant 0 : i32
    %scan3A_11 = arith.constant 0 : i32
    %scan3A_12 = arith.constant 62 : i32
    %scan3A_13 = arith.addi %scan3A_11, %scan3A_12 : i32
    %scan3A_14 = arith.constant 1 : i32
    scf.for %scan3A_28 = %scan3A_11 to %scan3A_13 step %scan3A_14  : i32 {
      %mul3A_29 = arith.constant 2 : i32
      %mul3A_30 = arith.muli %mul3A_29, %scan3A_28 : i32
      %add3A_31 = arith.constant 1 : i32
      %add3A_32 = arith.addi %mul3A_30, %add3A_31 : i32
      %mul3A_33 = arith.constant 80 : i32
      %mul3A_34 = arith.muli %add3A_32, %mul3A_33 : i32
      %dma_start3A_35 = tpu.memref_slice %arg8[%mul3A_34] : memref<10000xi32, #tpu.memory_space<vmem>> -> memref<80xi32, #tpu.memory_space<vmem>>
      %dma_start3A_36 = arith.constant 0 : i32
      %dma_start3A_37 = arith.constant 0 : i32
      %dma_start3A_38 = tpu.memref_slice %arg2[%dma_start3A_36, %dma_start3A_37] : memref<10000x128xf32, #tpu.memory_space<hbm>> -> memref<10000x128xf32, #tpu.memory_space<hbm>>
      tpu.enqueue_indirect_dma source(%dma_start3A_38 : memref<10000x128xf32, #tpu.memory_space<hbm>>) target(%arg11 : memref<80x128xf32, #tpu.memory_space<vmem>>) offsets(%dma_start3A_35 : memref<80xi32, #tpu.memory_space<vmem>>) semaphore(%arg13 : memref<!tpu.dma_semaphore, #tpu.memory_space<semaphore_mem>>)
      %mul3A_39 = arith.constant 80 : i32
      %mul3A_40 = arith.muli %mul3A_30, %mul3A_39 : i32
      %dma_wait3A_41 = tpu.memref_slice %arg8[%mul3A_40] : memref<10000xi32, #tpu.memory_space<vmem>> -> memref<80xi32, #tpu.memory_space<vmem>>
      %dma_wait3A_42 = arith.constant 0 : i32
      %dma_wait3A_43 = arith.constant 0 : i32
      %dma_wait3A_44 = tpu.memref_slice %arg2[%dma_wait3A_42, %dma_wait3A_43] : memref<10000x128xf32, #tpu.memory_space<hbm>> -> memref<10000x128xf32, #tpu.memory_space<hbm>>
      tpu.wait_indirect_dma semaphore(%arg12 : memref<!tpu.dma_semaphore, #tpu.memory_space<semaphore_mem>>) src(%dma_wait3A_44 : memref<10000x128xf32, #tpu.memory_space<hbm>>) dst(%arg10 : memref<80x128xf32, #tpu.memory_space<vmem>>)
      "tpu.region"() ({
        %run_scoped3A_63 = tpu.sem_alloc : memref<!tpu.dma_semaphore, #tpu.memory_space<semaphore_mem>>
        %dma_start3A_64 = arith.constant 0 : i32
        %dma_start3A_65 = tpu.memref_slice %arg9[%mul3A_30, %dma_start3A_64] : memref<125x80xi32, #tpu.memory_space<vmem>> -> memref<1x80xi32, #tpu.memory_space<vmem>>
        %dma_start3A_66 = tpu.memref_squeeze %dma_start3A_65 : memref<1x80xi32, #tpu.memory_space<vmem>> -> memref<80xi32, #tpu.memory_space<vmem>>
        %dma_start3A_67 = arith.constant 0 : i32
        %dma_start3A_68 = arith.constant 0 : i32
        %dma_start3A_69 = tpu.memref_slice %arg7[%dma_start3A_67, %dma_start3A_68] : memref<10240x128xf32, #tpu.memory_space<vmem_shared>> -> memref<10240x128xf32, #tpu.memory_space<vmem_shared>>
        tpu.enqueue_indirect_dma source(%arg10 : memref<80x128xf32, #tpu.memory_space<vmem>>) target(%dma_start3A_69 : memref<10240x128xf32, #tpu.memory_space<vmem_shared>>) offsets(%dma_start3A_66 : memref<80xi32, #tpu.memory_space<vmem>>) semaphore(%run_scoped3A_63 : memref<!tpu.dma_semaphore, #tpu.memory_space<semaphore_mem>>) {add = true}
        %dma_wait3A_70 = arith.constant 0 : i32
        %dma_wait3A_71 = tpu.memref_slice %arg9[%mul3A_30, %dma_wait3A_70] : memref<125x80xi32, #tpu.memory_space<vmem>> -> memref<1x80xi32, #tpu.memory_space<vmem>>
        %dma_wait3A_72 = tpu.memref_squeeze %dma_wait3A_71 : memref<1x80xi32, #tpu.memory_space<vmem>> -> memref<80xi32, #tpu.memory_space<vmem>>
        %dma_wait3A_73 = arith.constant 0 : i32
        %dma_wait3A_74 = arith.constant 0 : i32
        %dma_wait3A_75 = tpu.memref_slice %arg7[%dma_wait3A_73, %dma_wait3A_74] : memref<10240x128xf32, #tpu.memory_space<vmem_shared>> -> memref<10240x128xf32, #tpu.memory_space<vmem_shared>>
        tpu.wait_indirect_dma semaphore(%run_scoped3A_63 : memref<!tpu.dma_semaphore, #tpu.memory_space<semaphore_mem>>) src(%arg10 : memref<80x128xf32, #tpu.memory_space<vmem>>) dst(%dma_wait3A_75 : memref<10240x128xf32, #tpu.memory_space<vmem_shared>>)
        tpu.yield
      }) : () -> ()
      %add3A_45 = arith.constant 2 : i32
      %add3A_46 = arith.addi %mul3A_30, %add3A_45 : i32
      %mul3A_47 = arith.constant 80 : i32
      %mul3A_48 = arith.muli %add3A_46, %mul3A_47 : i32
      %dma_start3A_49 = tpu.memref_slice %arg8[%mul3A_48] : memref<10000xi32, #tpu.memory_space<vmem>> -> memref<80xi32, #tpu.memory_space<vmem>>
      %dma_start3A_50 = arith.constant 0 : i32
      %dma_start3A_51 = arith.constant 0 : i32
      %dma_start3A_52 = tpu.memref_slice %arg2[%dma_start3A_50, %dma_start3A_51] : memref<10000x128xf32, #tpu.memory_space<hbm>> -> memref<10000x128xf32, #tpu.memory_space<hbm>>
      tpu.enqueue_indirect_dma source(%dma_start3A_52 : memref<10000x128xf32, #tpu.memory_space<hbm>>) target(%arg10 : memref<80x128xf32, #tpu.memory_space<vmem>>) offsets(%dma_start3A_49 : memref<80xi32, #tpu.memory_space<vmem>>) semaphore(%arg12 : memref<!tpu.dma_semaphore, #tpu.memory_space<semaphore_mem>>)
      %add3A_53 = arith.constant 1 : i32
      %add3A_54 = arith.addi %mul3A_30, %add3A_53 : i32
      %mul3A_55 = arith.constant 80 : i32
      %mul3A_56 = arith.muli %add3A_54, %mul3A_55 : i32
      %dma_wait3A_57 = tpu.memref_slice %arg8[%mul3A_56] : memref<10000xi32, #tpu.memory_space<vmem>> -> memref<80xi32, #tpu.memory_space<vmem>>
      %dma_wait3A_58 = arith.constant 0 : i32
      %dma_wait3A_59 = arith.constant 0 : i32
      %dma_wait3A_60 = tpu.memref_slice %arg2[%dma_wait3A_58, %dma_wait3A_59] : memref<10000x128xf32, #tpu.memory_space<hbm>> -> memref<10000x128xf32, #tpu.memory_space<hbm>>
      tpu.wait_indirect_dma semaphore(%arg13 : memref<!tpu.dma_semaphore, #tpu.memory_space<semaphore_mem>>) src(%dma_wait3A_60 : memref<10000x128xf32, #tpu.memory_space<hbm>>) dst(%arg11 : memref<80x128xf32, #tpu.memory_space<vmem>>)
      %add3A_61 = arith.constant 1 : i32
      %add3A_62 = arith.addi %mul3A_30, %add3A_61 : i32
      "tpu.region"() ({
        %run_scoped3A_63 = tpu.sem_alloc : memref<!tpu.dma_semaphore, #tpu.memory_space<semaphore_mem>>
        %dma_start3A_64 = arith.constant 0 : i32
        %dma_start3A_65 = tpu.memref_slice %arg9[%add3A_62, %dma_start3A_64] : memref<125x80xi32, #tpu.memory_space<vmem>> -> memref<1x80xi32, #tpu.memory_space<vmem>>
        %dma_start3A_66 = tpu.memref_squeeze %dma_start3A_65 : memref<1x80xi32, #tpu.memory_space<vmem>> -> memref<80xi32, #tpu.memory_space<vmem>>
        %dma_start3A_67 = arith.constant 0 : i32
        %dma_start3A_68 = arith.constant 0 : i32
        %dma_start3A_69 = tpu.memref_slice %arg7[%dma_start3A_67, %dma_start3A_68] : memref<10240x128xf32, #tpu.memory_space<vmem_shared>> -> memref<10240x128xf32, #tpu.memory_space<vmem_shared>>
        tpu.enqueue_indirect_dma source(%arg11 : memref<80x128xf32, #tpu.memory_space<vmem>>) target(%dma_start3A_69 : memref<10240x128xf32, #tpu.memory_space<vmem_shared>>) offsets(%dma_start3A_66 : memref<80xi32, #tpu.memory_space<vmem>>) semaphore(%run_scoped3A_63 : memref<!tpu.dma_semaphore, #tpu.memory_space<semaphore_mem>>) {add = true}
        %dma_wait3A_70 = arith.constant 0 : i32
        %dma_wait3A_71 = tpu.memref_slice %arg9[%add3A_62, %dma_wait3A_70] : memref<125x80xi32, #tpu.memory_space<vmem>> -> memref<1x80xi32, #tpu.memory_space<vmem>>
        %dma_wait3A_72 = tpu.memref_squeeze %dma_wait3A_71 : memref<1x80xi32, #tpu.memory_space<vmem>> -> memref<80xi32, #tpu.memory_space<vmem>>
        %dma_wait3A_73 = arith.constant 0 : i32
        %dma_wait3A_74 = arith.constant 0 : i32
        %dma_wait3A_75 = tpu.memref_slice %arg7[%dma_wait3A_73, %dma_wait3A_74] : memref<10240x128xf32, #tpu.memory_space<vmem_shared>> -> memref<10240x128xf32, #tpu.memory_space<vmem_shared>>
        tpu.wait_indirect_dma semaphore(%run_scoped3A_63 : memref<!tpu.dma_semaphore, #tpu.memory_space<semaphore_mem>>) src(%arg11 : memref<80x128xf32, #tpu.memory_space<vmem>>) dst(%dma_wait3A_75 : memref<10240x128xf32, #tpu.memory_space<vmem_shared>>)
        tpu.yield
      }) : () -> ()
    }
    %scan3A_15 = arith.constant 62 : i32
    %dma_wait3A = arith.constant 9920 : i32
    %dma_wait3A_16 = tpu.memref_slice %arg8[%dma_wait3A] : memref<10000xi32, #tpu.memory_space<vmem>> -> memref<80xi32, #tpu.memory_space<vmem>>
    %dma_wait3A_17 = arith.constant 0 : i32
    %dma_wait3A_18 = arith.constant 0 : i32
    %dma_wait3A_19 = tpu.memref_slice %arg2[%dma_wait3A_17, %dma_wait3A_18] : memref<10000x128xf32, #tpu.memory_space<hbm>> -> memref<10000x128xf32, #tpu.memory_space<hbm>>
    tpu.wait_indirect_dma semaphore(%arg12 : memref<!tpu.dma_semaphore, #tpu.memory_space<semaphore_mem>>) src(%dma_wait3A_19 : memref<10000x128xf32, #tpu.memory_space<hbm>>) dst(%arg10 : memref<80x128xf32, #tpu.memory_space<vmem>>)
    %run_scoped3A = arith.constant 124 : i32
    "tpu.region"() ({
      %run_scoped3A_28 = tpu.sem_alloc : memref<!tpu.dma_semaphore, #tpu.memory_space<semaphore_mem>>
      %dma_start3A_29 = arith.constant 0 : i32
      %dma_start3A_30 = tpu.memref_slice %arg9[%run_scoped3A, %dma_start3A_29] : memref<125x80xi32, #tpu.memory_space<vmem>> -> memref<1x80xi32, #tpu.memory_space<vmem>>
      %dma_start3A_31 = tpu.memref_squeeze %dma_start3A_30 : memref<1x80xi32, #tpu.memory_space<vmem>> -> memref<80xi32, #tpu.memory_space<vmem>>
      %dma_start3A_32 = arith.constant 0 : i32
      %dma_start3A_33 = arith.constant 0 : i32
      %dma_start3A_34 = tpu.memref_slice %arg7[%dma_start3A_32, %dma_start3A_33] : memref<10240x128xf32, #tpu.memory_space<vmem_shared>> -> memref<10240x128xf32, #tpu.memory_space<vmem_shared>>
      tpu.enqueue_indirect_dma source(%arg10 : memref<80x128xf32, #tpu.memory_space<vmem>>) target(%dma_start3A_34 : memref<10240x128xf32, #tpu.memory_space<vmem_shared>>) offsets(%dma_start3A_31 : memref<80xi32, #tpu.memory_space<vmem>>) semaphore(%run_scoped3A_28 : memref<!tpu.dma_semaphore, #tpu.memory_space<semaphore_mem>>) {add = true}
      %dma_wait3A_35 = arith.constant 0 : i32
      %dma_wait3A_36 = tpu.memref_slice %arg9[%run_scoped3A, %dma_wait3A_35] : memref<125x80xi32, #tpu.memory_space<vmem>> -> memref<1x80xi32, #tpu.memory_space<vmem>>
      %dma_wait3A_37 = tpu.memref_squeeze %dma_wait3A_36 : memref<1x80xi32, #tpu.memory_space<vmem>> -> memref<80xi32, #tpu.memory_space<vmem>>
      %dma_wait3A_38 = arith.constant 0 : i32
      %dma_wait3A_39 = arith.constant 0 : i32
      %dma_wait3A_40 = tpu.memref_slice %arg7[%dma_wait3A_38, %dma_wait3A_39] : memref<10240x128xf32, #tpu.memory_space<vmem_shared>> -> memref<10240x128xf32, #tpu.memory_space<vmem_shared>>
      tpu.wait_indirect_dma semaphore(%run_scoped3A_28 : memref<!tpu.dma_semaphore, #tpu.memory_space<semaphore_mem>>) src(%arg10 : memref<80x128xf32, #tpu.memory_space<vmem>>) dst(%dma_wait3A_40 : memref<10240x128xf32, #tpu.memory_space<vmem_shared>>)
      tpu.yield
    }) : () -> ()
    %barrier3A_20 = arith.constant 0 : index
    tpu.barrier barrier_id(%barrier3A_20)
    %mul3A_21 = arith.constant 640 : i32
    %mul3A_22 = arith.muli %arg1, %mul3A_21 : i32
    %mul3A_23 = arith.constant 10240 : i32
    %mul3A_24 = arith.muli %arg0, %mul3A_23 : i32
    %mul3A_25 = arith.constant 640 : i32
    %mul3A_26 = arith.muli %arg1, %mul3A_25 : i32
    %add3A_27 = arith.addi %mul3A_24, %mul3A_26 : i32
    "tpu.region"() ({
      %run_scoped3A_28 = tpu.sem_alloc : memref<!tpu.dma_semaphore, #tpu.memory_space<semaphore_mem>>
      %dma_start3A_29 = arith.constant 0 : i32
      %dma_start3A_30 = tpu.memref_slice %arg6[%add3A_27, %dma_start3A_29] : memref<20480x128xf32, #tpu.memory_space<hbm>> -> memref<640x128xf32, #tpu.memory_space<hbm>>
      %dma_start3A_31 = arith.constant 0 : i32
      %dma_start3A_32 = tpu.memref_slice %arg7[%mul3A_22, %dma_start3A_31] : memref<10240x128xf32, #tpu.memory_space<vmem_shared>> -> memref<640x128xf32, #tpu.memory_space<vmem_shared>>
      tpu.enqueue_dma source(%dma_start3A_32 : memref<640x128xf32, #tpu.memory_space<vmem_shared>>) target(%dma_start3A_30 : memref<640x128xf32, #tpu.memory_space<hbm>>) target_semaphore(%run_scoped3A_28 : memref<!tpu.dma_semaphore, #tpu.memory_space<semaphore_mem>>)
      %dma_wait3A_33 = arith.constant 0 : i32
      %dma_wait3A_34 = tpu.memref_slice %arg6[%add3A_27, %dma_wait3A_33] : memref<20480x128xf32, #tpu.memory_space<hbm>> -> memref<640x128xf32, #tpu.memory_space<hbm>>
      %dma_wait3A_35 = arith.constant 0 : i32
      %dma_wait3A_36 = tpu.memref_slice %arg7[%mul3A_22, %dma_wait3A_35] : memref<10240x128xf32, #tpu.memory_space<vmem_shared>> -> memref<640x128xf32, #tpu.memory_space<vmem_shared>>
      tpu.wait_dma2 semaphore(%run_scoped3A_28 : memref<!tpu.dma_semaphore, #tpu.memory_space<semaphore_mem>>) src(%dma_wait3A_36 : memref<640x128xf32, #tpu.memory_space<vmem_shared>>) dst(%dma_wait3A_34 : memref<640x128xf32, #tpu.memory_space<hbm>>)
      tpu.yield
    }) : () -> ()
    return
  }
}

#map = affine_map<(d0, d1) -> (0, 0, 0)>
#map1 = affine_map<(d0, d1) -> (0)>
module attributes {stable_mosaic.version = 14 : i64} {
  func.func @_hist_body(%arg0: i32, %arg1: i32, %arg2: memref<32x125x80xi32, #tpu.memory_space<hbm>>, %arg3: memref<32x125x80xi32, #tpu.memory_space<hbm>>, %arg4: memref<10240xf32, #tpu.memory_space<hbm>>, %arg5: memref<40960xf32, #tpu.memory_space<hbm>>, %arg6: memref<10240xf32, #tpu.memory_space<vmem_shared>>, %arg7: memref<10240xf32, #tpu.memory_space<vmem_shared>>, %arg8: memref<125x80xi32, #tpu.memory_space<vmem>>, %arg9: memref<125x80xi32, #tpu.memory_space<vmem>>, %arg10: memref<80xf32, #tpu.memory_space<vmem>>, %arg11: memref<!tpu.dma_semaphore, #tpu.memory_space<semaphore_mem>>, %arg12: memref<!tpu.dma_semaphore, #tpu.memory_space<semaphore_mem>>) attributes {dimension_semantics = [#tpu.dimension_semantics<core_parallel>, #tpu.dimension_semantics<subcore_parallel>], iteration_bounds = array<i64: 2, 16>, scalar_prefetch = 0 : i64, scratch_operands = 7 : i64, tpu.core_type = #tpu.core_type<sc_vector_subcore>, window_params = [{transform_indices = #map}, {transform_indices = #map}, {transform_indices = #map1}, {transform_indices = #map1}]} {
    %mul3A = arith.constant 16 : i32
    %mul3A_0 = arith.muli %arg0, %mul3A : i32
    %add3A = arith.addi %mul3A_0, %arg1 : i32
    %broadcast_in_dim3A = arith.constant 1.000000e+00 : f32
    %broadcast_in_dim3A_1 = vector.broadcast %broadcast_in_dim3A : f32 to vector<16xf32>
    %swap3A = arith.constant 0 : index
    %swap3A_2 = tpu.vector_load %arg10[%swap3A] {strides = array<i32>} : memref<80xf32, #tpu.memory_space<vmem>>, vector<16xf32>,
    %swap3A_3 = vector.shape_cast %swap3A_2 : vector<16xf32> to vector<16xf32>
    %swap3A_4 = vector.shape_cast %broadcast_in_dim3A_1 : vector<16xf32> to vector<16xf32>
    tpu.vector_store %arg10[%swap3A], %swap3A_4 {strides = array<i32>} : memref<80xf32, #tpu.memory_space<vmem>>, vector<16xf32>,
    %swap3A_5 = arith.constant 16 : index
    %swap3A_6 = tpu.vector_load %arg10[%swap3A_5] {strides = array<i32>} : memref<80xf32, #tpu.memory_space<vmem>>, vector<16xf32>,
    %swap3A_7 = vector.shape_cast %swap3A_6 : vector<16xf32> to vector<16xf32>
    %swap3A_8 = vector.shape_cast %broadcast_in_dim3A_1 : vector<16xf32> to vector<16xf32>
    tpu.vector_store %arg10[%swap3A_5], %swap3A_8 {strides = array<i32>} : memref<80xf32, #tpu.memory_space<vmem>>, vector<16xf32>,
    %swap3A_9 = arith.constant 32 : index
    %swap3A_10 = tpu.vector_load %arg10[%swap3A_9] {strides = array<i32>} : memref<80xf32, #tpu.memory_space<vmem>>, vector<16xf32>,
    %swap3A_11 = vector.shape_cast %swap3A_10 : vector<16xf32> to vector<16xf32>
    %swap3A_12 = vector.shape_cast %broadcast_in_dim3A_1 : vector<16xf32> to vector<16xf32>
    tpu.vector_store %arg10[%swap3A_9], %swap3A_12 {strides = array<i32>} : memref<80xf32, #tpu.memory_space<vmem>>, vector<16xf32>,
    %swap3A_13 = arith.constant 48 : index
    %swap3A_14 = tpu.vector_load %arg10[%swap3A_13] {strides = array<i32>} : memref<80xf32, #tpu.memory_space<vmem>>, vector<16xf32>,
    %swap3A_15 = vector.shape_cast %swap3A_14 : vector<16xf32> to vector<16xf32>
    %swap3A_16 = vector.shape_cast %broadcast_in_dim3A_1 : vector<16xf32> to vector<16xf32>
    tpu.vector_store %arg10[%swap3A_13], %swap3A_16 {strides = array<i32>} : memref<80xf32, #tpu.memory_space<vmem>>, vector<16xf32>,
    %swap3A_17 = arith.constant 64 : index
    %swap3A_18 = tpu.vector_load %arg10[%swap3A_17] {strides = array<i32>} : memref<80xf32, #tpu.memory_space<vmem>>, vector<16xf32>,
    %swap3A_19 = vector.shape_cast %swap3A_18 : vector<16xf32> to vector<16xf32>
    %swap3A_20 = vector.shape_cast %broadcast_in_dim3A_1 : vector<16xf32> to vector<16xf32>
    tpu.vector_store %arg10[%swap3A_17], %swap3A_20 {strides = array<i32>} : memref<80xf32, #tpu.memory_space<vmem>>, vector<16xf32>,
    %mul3A_21 = arith.constant 640 : i32
    %mul3A_22 = arith.muli %arg1, %mul3A_21 : i32
    %mul3A_23 = arith.constant 640 : i32
    %mul3A_24 = arith.muli %arg1, %mul3A_23 : i32
    "tpu.region"() ({
      %run_scoped3A = tpu.sem_alloc : memref<!tpu.dma_semaphore, #tpu.memory_space<semaphore_mem>>
      %dma_start3A_77 = tpu.memref_slice %arg6[%mul3A_24] : memref<10240xf32, #tpu.memory_space<vmem_shared>> -> memref<640xf32, #tpu.memory_space<vmem_shared>>
      %dma_start3A_78 = tpu.memref_slice %arg4[%mul3A_22] : memref<10240xf32, #tpu.memory_space<hbm>> -> memref<640xf32, #tpu.memory_space<hbm>>
      tpu.enqueue_dma source(%dma_start3A_78 : memref<640xf32, #tpu.memory_space<hbm>>) target(%dma_start3A_77 : memref<640xf32, #tpu.memory_space<vmem_shared>>) target_semaphore(%run_scoped3A : memref<!tpu.dma_semaphore, #tpu.memory_space<semaphore_mem>>)
      %dma_wait3A_79 = tpu.memref_slice %arg6[%mul3A_24] : memref<10240xf32, #tpu.memory_space<vmem_shared>> -> memref<640xf32, #tpu.memory_space<vmem_shared>>
      %dma_wait3A_80 = tpu.memref_slice %arg4[%mul3A_22] : memref<10240xf32, #tpu.memory_space<hbm>> -> memref<640xf32, #tpu.memory_space<hbm>>
      tpu.wait_dma2 semaphore(%run_scoped3A : memref<!tpu.dma_semaphore, #tpu.memory_space<semaphore_mem>>) src(%dma_wait3A_80 : memref<640xf32, #tpu.memory_space<hbm>>) dst(%dma_wait3A_79 : memref<640xf32, #tpu.memory_space<vmem_shared>>)
      tpu.yield
    }) : () -> ()
    %mul3A_25 = arith.constant 640 : i32
    %mul3A_26 = arith.muli %arg1, %mul3A_25 : i32
    %mul3A_27 = arith.constant 640 : i32
    %mul3A_28 = arith.muli %arg1, %mul3A_27 : i32
    "tpu.region"() ({
      %run_scoped3A = tpu.sem_alloc : memref<!tpu.dma_semaphore, #tpu.memory_space<semaphore_mem>>
      %dma_start3A_77 = tpu.memref_slice %arg7[%mul3A_28] : memref<10240xf32, #tpu.memory_space<vmem_shared>> -> memref<640xf32, #tpu.memory_space<vmem_shared>>
      %dma_start3A_78 = tpu.memref_slice %arg4[%mul3A_26] : memref<10240xf32, #tpu.memory_space<hbm>> -> memref<640xf32, #tpu.memory_space<hbm>>
      tpu.enqueue_dma source(%dma_start3A_78 : memref<640xf32, #tpu.memory_space<hbm>>) target(%dma_start3A_77 : memref<640xf32, #tpu.memory_space<vmem_shared>>) target_semaphore(%run_scoped3A : memref<!tpu.dma_semaphore, #tpu.memory_space<semaphore_mem>>)
      %dma_wait3A_79 = tpu.memref_slice %arg7[%mul3A_28] : memref<10240xf32, #tpu.memory_space<vmem_shared>> -> memref<640xf32, #tpu.memory_space<vmem_shared>>
      %dma_wait3A_80 = tpu.memref_slice %arg4[%mul3A_26] : memref<10240xf32, #tpu.memory_space<hbm>> -> memref<640xf32, #tpu.memory_space<hbm>>
      tpu.wait_dma2 semaphore(%run_scoped3A : memref<!tpu.dma_semaphore, #tpu.memory_space<semaphore_mem>>) src(%dma_wait3A_80 : memref<640xf32, #tpu.memory_space<hbm>>) dst(%dma_wait3A_79 : memref<640xf32, #tpu.memory_space<vmem_shared>>)
      tpu.yield
    }) : () -> ()
    "tpu.region"() ({
      %run_scoped3A = tpu.sem_alloc : memref<!tpu.dma_semaphore, #tpu.memory_space<semaphore_mem>>
      %dma_start3A_77 = arith.constant 0 : i32
      %dma_start3A_78 = arith.constant 0 : i32
      %dma_start3A_79 = tpu.memref_slice %arg2[%add3A, %dma_start3A_77, %dma_start3A_78] : memref<32x125x80xi32, #tpu.memory_space<hbm>> -> memref<1x125x80xi32, #tpu.memory_space<hbm>>
      %dma_start3A_80 = tpu.memref_squeeze %dma_start3A_79 : memref<1x125x80xi32, #tpu.memory_space<hbm>> -> memref<125x80xi32, #tpu.memory_space<hbm>>
      %dma_start3A_81 = arith.constant 0 : i32
      %dma_start3A_82 = arith.constant 0 : i32
      %dma_start3A_83 = tpu.memref_slice %arg2[%add3A, %dma_start3A_81, %dma_start3A_82] : memref<32x125x80xi32, #tpu.memory_space<hbm>> -> memref<1x125x80xi32, #tpu.memory_space<hbm>>
      %dma_start3A_84 = tpu.memref_squeeze %dma_start3A_83 : memref<1x125x80xi32, #tpu.memory_space<hbm>> -> memref<125x80xi32, #tpu.memory_space<hbm>>
      tpu.enqueue_dma source(%dma_start3A_84 : memref<125x80xi32, #tpu.memory_space<hbm>>) target(%arg8 : memref<125x80xi32, #tpu.memory_space<vmem>>) target_semaphore(%run_scoped3A : memref<!tpu.dma_semaphore, #tpu.memory_space<semaphore_mem>>)
      %dma_wait3A_85 = arith.constant 0 : i32
      %dma_wait3A_86 = arith.constant 0 : i32
      %dma_wait3A_87 = tpu.memref_slice %arg2[%add3A, %dma_wait3A_85, %dma_wait3A_86] : memref<32x125x80xi32, #tpu.memory_space<hbm>> -> memref<1x125x80xi32, #tpu.memory_space<hbm>>
      %dma_wait3A_88 = tpu.memref_squeeze %dma_wait3A_87 : memref<1x125x80xi32, #tpu.memory_space<hbm>> -> memref<125x80xi32, #tpu.memory_space<hbm>>
      %dma_wait3A_89 = arith.constant 0 : i32
      %dma_wait3A_90 = arith.constant 0 : i32
      %dma_wait3A_91 = tpu.memref_slice %arg2[%add3A, %dma_wait3A_89, %dma_wait3A_90] : memref<32x125x80xi32, #tpu.memory_space<hbm>> -> memref<1x125x80xi32, #tpu.memory_space<hbm>>
      %dma_wait3A_92 = tpu.memref_squeeze %dma_wait3A_91 : memref<1x125x80xi32, #tpu.memory_space<hbm>> -> memref<125x80xi32, #tpu.memory_space<hbm>>
      tpu.wait_dma2 semaphore(%run_scoped3A : memref<!tpu.dma_semaphore, #tpu.memory_space<semaphore_mem>>) src(%dma_wait3A_92 : memref<125x80xi32, #tpu.memory_space<hbm>>) dst(%arg8 : memref<125x80xi32, #tpu.memory_space<vmem>>)
      tpu.yield
    }) : () -> ()
    "tpu.region"() ({
      %run_scoped3A = tpu.sem_alloc : memref<!tpu.dma_semaphore, #tpu.memory_space<semaphore_mem>>
      %dma_start3A_77 = arith.constant 0 : i32
      %dma_start3A_78 = arith.constant 0 : i32
      %dma_start3A_79 = tpu.memref_slice %arg3[%add3A, %dma_start3A_77, %dma_start3A_78] : memref<32x125x80xi32, #tpu.memory_space<hbm>> -> memref<1x125x80xi32, #tpu.memory_space<hbm>>
      %dma_start3A_80 = tpu.memref_squeeze %dma_start3A_79 : memref<1x125x80xi32, #tpu.memory_space<hbm>> -> memref<125x80xi32, #tpu.memory_space<hbm>>
      %dma_start3A_81 = arith.constant 0 : i32
      %dma_start3A_82 = arith.constant 0 : i32
      %dma_start3A_83 = tpu.memref_slice %arg3[%add3A, %dma_start3A_81, %dma_start3A_82] : memref<32x125x80xi32, #tpu.memory_space<hbm>> -> memref<1x125x80xi32, #tpu.memory_space<hbm>>
      %dma_start3A_84 = tpu.memref_squeeze %dma_start3A_83 : memref<1x125x80xi32, #tpu.memory_space<hbm>> -> memref<125x80xi32, #tpu.memory_space<hbm>>
      tpu.enqueue_dma source(%dma_start3A_84 : memref<125x80xi32, #tpu.memory_space<hbm>>) target(%arg9 : memref<125x80xi32, #tpu.memory_space<vmem>>) target_semaphore(%run_scoped3A : memref<!tpu.dma_semaphore, #tpu.memory_space<semaphore_mem>>)
      %dma_wait3A_85 = arith.constant 0 : i32
      %dma_wait3A_86 = arith.constant 0 : i32
      %dma_wait3A_87 = tpu.memref_slice %arg3[%add3A, %dma_wait3A_85, %dma_wait3A_86] : memref<32x125x80xi32, #tpu.memory_space<hbm>> -> memref<1x125x80xi32, #tpu.memory_space<hbm>>
      %dma_wait3A_88 = tpu.memref_squeeze %dma_wait3A_87 : memref<1x125x80xi32, #tpu.memory_space<hbm>> -> memref<125x80xi32, #tpu.memory_space<hbm>>
      %dma_wait3A_89 = arith.constant 0 : i32
      %dma_wait3A_90 = arith.constant 0 : i32
      %dma_wait3A_91 = tpu.memref_slice %arg3[%add3A, %dma_wait3A_89, %dma_wait3A_90] : memref<32x125x80xi32, #tpu.memory_space<hbm>> -> memref<1x125x80xi32, #tpu.memory_space<hbm>>
      %dma_wait3A_92 = tpu.memref_squeeze %dma_wait3A_91 : memref<1x125x80xi32, #tpu.memory_space<hbm>> -> memref<125x80xi32, #tpu.memory_space<hbm>>
      tpu.wait_dma2 semaphore(%run_scoped3A : memref<!tpu.dma_semaphore, #tpu.memory_space<semaphore_mem>>) src(%dma_wait3A_92 : memref<125x80xi32, #tpu.memory_space<hbm>>) dst(%arg9 : memref<125x80xi32, #tpu.memory_space<vmem>>)
      tpu.yield
    }) : () -> ()
    %barrier3A = arith.constant 0 : index
    tpu.barrier barrier_id(%barrier3A)
    %dma_start3A = arith.constant 0 : i32
    %dma_start3A_29 = arith.constant 0 : i32
    %dma_start3A_30 = tpu.memref_slice %arg9[%dma_start3A, %dma_start3A_29] : memref<125x80xi32, #tpu.memory_space<vmem>> -> memref<1x80xi32, #tpu.memory_space<vmem>>
    %dma_start3A_31 = tpu.memref_squeeze %dma_start3A_30 : memref<1x80xi32, #tpu.memory_space<vmem>> -> memref<80xi32, #tpu.memory_space<vmem>>
    %dma_start3A_32 = arith.constant 0 : i32
    %dma_start3A_33 = tpu.memref_slice %arg6[%dma_start3A_32] : memref<10240xf32, #tpu.memory_space<vmem_shared>> -> memref<10240xf32, #tpu.memory_space<vmem_shared>>
    tpu.enqueue_indirect_dma source(%arg10 : memref<80xf32, #tpu.memory_space<vmem>>) target(%dma_start3A_33 : memref<10240xf32, #tpu.memory_space<vmem_shared>>) offsets(%dma_start3A_31 : memref<80xi32, #tpu.memory_space<vmem>>) semaphore(%arg11 : memref<!tpu.dma_semaphore, #tpu.memory_space<semaphore_mem>>) {add = true}
    %dma_start3A_34 = arith.constant 0 : i32
    %dma_start3A_35 = arith.constant 0 : i32
    %dma_start3A_36 = tpu.memref_slice %arg8[%dma_start3A_34, %dma_start3A_35] : memref<125x80xi32, #tpu.memory_space<vmem>> -> memref<1x80xi32, #tpu.memory_space<vmem>>
    %dma_start3A_37 = tpu.memref_squeeze %dma_start3A_36 : memref<1x80xi32, #tpu.memory_space<vmem>> -> memref<80xi32, #tpu.memory_space<vmem>>
    %dma_start3A_38 = arith.constant 0 : i32
    %dma_start3A_39 = tpu.memref_slice %arg7[%dma_start3A_38] : memref<10240xf32, #tpu.memory_space<vmem_shared>> -> memref<10240xf32, #tpu.memory_space<vmem_shared>>
    tpu.enqueue_indirect_dma source(%arg10 : memref<80xf32, #tpu.memory_space<vmem>>) target(%dma_start3A_39 : memref<10240xf32, #tpu.memory_space<vmem_shared>>) offsets(%dma_start3A_37 : memref<80xi32, #tpu.memory_space<vmem>>) semaphore(%arg12 : memref<!tpu.dma_semaphore, #tpu.memory_space<semaphore_mem>>) {add = true}
    %scan3A = arith.constant 0 : i32
    %scan3A_40 = arith.constant 1 : i32
    %scan3A_41 = arith.constant 124 : i32
    %scan3A_42 = arith.addi %scan3A_40, %scan3A_41 : i32
    %scan3A_43 = arith.constant 1 : i32
    scf.for %scan3A_77 = %scan3A_40 to %scan3A_42 step %scan3A_43  : i32 {
      %dma_start3A_78 = arith.constant 0 : i32
      %dma_start3A_79 = tpu.memref_slice %arg9[%scan3A_77, %dma_start3A_78] : memref<125x80xi32, #tpu.memory_space<vmem>> -> memref<1x80xi32, #tpu.memory_space<vmem>>
      %dma_start3A_80 = tpu.memref_squeeze %dma_start3A_79 : memref<1x80xi32, #tpu.memory_space<vmem>> -> memref<80xi32, #tpu.memory_space<vmem>>
      %dma_start3A_81 = arith.constant 0 : i32
      %dma_start3A_82 = tpu.memref_slice %arg6[%dma_start3A_81] : memref<10240xf32, #tpu.memory_space<vmem_shared>> -> memref<10240xf32, #tpu.memory_space<vmem_shared>>
      tpu.enqueue_indirect_dma source(%arg10 : memref<80xf32, #tpu.memory_space<vmem>>) target(%dma_start3A_82 : memref<10240xf32, #tpu.memory_space<vmem_shared>>) offsets(%dma_start3A_80 : memref<80xi32, #tpu.memory_space<vmem>>) semaphore(%arg11 : memref<!tpu.dma_semaphore, #tpu.memory_space<semaphore_mem>>) {add = true}
      %dma_start3A_83 = arith.constant 0 : i32
      %dma_start3A_84 = tpu.memref_slice %arg8[%scan3A_77, %dma_start3A_83] : memref<125x80xi32, #tpu.memory_space<vmem>> -> memref<1x80xi32, #tpu.memory_space<vmem>>
      %dma_start3A_85 = tpu.memref_squeeze %dma_start3A_84 : memref<1x80xi32, #tpu.memory_space<vmem>> -> memref<80xi32, #tpu.memory_space<vmem>>
      %dma_start3A_86 = arith.constant 0 : i32
      %dma_start3A_87 = tpu.memref_slice %arg7[%dma_start3A_86] : memref<10240xf32, #tpu.memory_space<vmem_shared>> -> memref<10240xf32, #tpu.memory_space<vmem_shared>>
      tpu.enqueue_indirect_dma source(%arg10 : memref<80xf32, #tpu.memory_space<vmem>>) target(%dma_start3A_87 : memref<10240xf32, #tpu.memory_space<vmem_shared>>) offsets(%dma_start3A_85 : memref<80xi32, #tpu.memory_space<vmem>>) semaphore(%arg12 : memref<!tpu.dma_semaphore, #tpu.memory_space<semaphore_mem>>) {add = true}
      %sub3A = arith.constant 1 : i32
      %sub3A_88 = arith.subi %scan3A_77, %sub3A : i32
      %dma_wait3A_89 = arith.constant 0 : i32
      %dma_wait3A_90 = tpu.memref_slice %arg9[%sub3A_88, %dma_wait3A_89] : memref<125x80xi32, #tpu.memory_space<vmem>> -> memref<1x80xi32, #tpu.memory_space<vmem>>
      %dma_wait3A_91 = tpu.memref_squeeze %dma_wait3A_90 : memref<1x80xi32, #tpu.memory_space<vmem>> -> memref<80xi32, #tpu.memory_space<vmem>>
      %dma_wait3A_92 = arith.constant 0 : i32
      %dma_wait3A_93 = tpu.memref_slice %arg6[%dma_wait3A_92] : memref<10240xf32, #tpu.memory_space<vmem_shared>> -> memref<10240xf32, #tpu.memory_space<vmem_shared>>
      tpu.wait_indirect_dma semaphore(%arg11 : memref<!tpu.dma_semaphore, #tpu.memory_space<semaphore_mem>>) src(%arg10 : memref<80xf32, #tpu.memory_space<vmem>>) dst(%dma_wait3A_93 : memref<10240xf32, #tpu.memory_space<vmem_shared>>)
      %dma_wait3A_94 = arith.constant 0 : i32
      %dma_wait3A_95 = tpu.memref_slice %arg8[%sub3A_88, %dma_wait3A_94] : memref<125x80xi32, #tpu.memory_space<vmem>> -> memref<1x80xi32, #tpu.memory_space<vmem>>
      %dma_wait3A_96 = tpu.memref_squeeze %dma_wait3A_95 : memref<1x80xi32, #tpu.memory_space<vmem>> -> memref<80xi32, #tpu.memory_space<vmem>>
      %dma_wait3A_97 = arith.constant 0 : i32
      %dma_wait3A_98 = tpu.memref_slice %arg7[%dma_wait3A_97] : memref<10240xf32, #tpu.memory_space<vmem_shared>> -> memref<10240xf32, #tpu.memory_space<vmem_shared>>
      tpu.wait_indirect_dma semaphore(%arg12 : memref<!tpu.dma_semaphore, #tpu.memory_space<semaphore_mem>>) src(%arg10 : memref<80xf32, #tpu.memory_space<vmem>>) dst(%dma_wait3A_98 : memref<10240xf32, #tpu.memory_space<vmem_shared>>)
    }
    %scan3A_44 = arith.constant 124 : i32
    %dma_wait3A = arith.constant 124 : i32
    %dma_wait3A_45 = arith.constant 0 : i32
    %dma_wait3A_46 = tpu.memref_slice %arg9[%dma_wait3A, %dma_wait3A_45] : memref<125x80xi32, #tpu.memory_space<vmem>> -> memref<1x80xi32, #tpu.memory_space<vmem>>
    %dma_wait3A_47 = tpu.memref_squeeze %dma_wait3A_46 : memref<1x80xi32, #tpu.memory_space<vmem>> -> memref<80xi32, #tpu.memory_space<vmem>>
    %dma_wait3A_48 = arith.constant 0 : i32
    %dma_wait3A_49 = tpu.memref_slice %arg6[%dma_wait3A_48] : memref<10240xf32, #tpu.memory_space<vmem_shared>> -> memref<10240xf32, #tpu.memory_space<vmem_shared>>
    tpu.wait_indirect_dma semaphore(%arg11 : memref<!tpu.dma_semaphore, #tpu.memory_space<semaphore_mem>>) src(%arg10 : memref<80xf32, #tpu.memory_space<vmem>>) dst(%dma_wait3A_49 : memref<10240xf32, #tpu.memory_space<vmem_shared>>)
    %dma_wait3A_50 = arith.constant 124 : i32
    %dma_wait3A_51 = arith.constant 0 : i32
    %dma_wait3A_52 = tpu.memref_slice %arg8[%dma_wait3A_50, %dma_wait3A_51] : memref<125x80xi32, #tpu.memory_space<vmem>> -> memref<1x80xi32, #tpu.memory_space<vmem>>
    %dma_wait3A_53 = tpu.memref_squeeze %dma_wait3A_52 : memref<1x80xi32, #tpu.memory_space<vmem>> -> memref<80xi32, #tpu.memory_space<vmem>>
    %dma_wait3A_54 = arith.constant 0 : i32
    %dma_wait3A_55 = tpu.memref_slice %arg7[%dma_wait3A_54] : memref<10240xf32, #tpu.memory_space<vmem_shared>> -> memref<10240xf32, #tpu.memory_space<vmem_shared>>
    tpu.wait_indirect_dma semaphore(%arg12 : memref<!tpu.dma_semaphore, #tpu.memory_space<semaphore_mem>>) src(%arg10 : memref<80xf32, #tpu.memory_space<vmem>>) dst(%dma_wait3A_55 : memref<10240xf32, #tpu.memory_space<vmem_shared>>)
    %barrier3A_56 = arith.constant 0 : index
    tpu.barrier barrier_id(%barrier3A_56)
    %mul3A_57 = arith.constant 640 : i32
    %mul3A_58 = arith.muli %arg1, %mul3A_57 : i32
    %mul3A_59 = arith.constant 2 : i32
    %mul3A_60 = arith.muli %mul3A_59, %arg0 : i32
    %mul3A_61 = arith.constant 10240 : i32
    %mul3A_62 = arith.muli %mul3A_60, %mul3A_61 : i32
    %mul3A_63 = arith.constant 640 : i32
    %mul3A_64 = arith.muli %arg1, %mul3A_63 : i32
    %add3A_65 = arith.addi %mul3A_62, %mul3A_64 : i32
    "tpu.region"() ({
      %run_scoped3A = tpu.sem_alloc : memref<!tpu.dma_semaphore, #tpu.memory_space<semaphore_mem>>
      %dma_start3A_77 = tpu.memref_slice %arg5[%add3A_65] : memref<40960xf32, #tpu.memory_space<hbm>> -> memref<640xf32, #tpu.memory_space<hbm>>
      %dma_start3A_78 = tpu.memref_slice %arg6[%mul3A_58] : memref<10240xf32, #tpu.memory_space<vmem_shared>> -> memref<640xf32, #tpu.memory_space<vmem_shared>>
      tpu.enqueue_dma source(%dma_start3A_78 : memref<640xf32, #tpu.memory_space<vmem_shared>>) target(%dma_start3A_77 : memref<640xf32, #tpu.memory_space<hbm>>) target_semaphore(%run_scoped3A : memref<!tpu.dma_semaphore, #tpu.memory_space<semaphore_mem>>)
      %dma_wait3A_79 = tpu.memref_slice %arg5[%add3A_65] : memref<40960xf32, #tpu.memory_space<hbm>> -> memref<640xf32, #tpu.memory_space<hbm>>
      %dma_wait3A_80 = tpu.memref_slice %arg6[%mul3A_58] : memref<10240xf32, #tpu.memory_space<vmem_shared>> -> memref<640xf32, #tpu.memory_space<vmem_shared>>
      tpu.wait_dma2 semaphore(%run_scoped3A : memref<!tpu.dma_semaphore, #tpu.memory_space<semaphore_mem>>) src(%dma_wait3A_80 : memref<640xf32, #tpu.memory_space<vmem_shared>>) dst(%dma_wait3A_79 : memref<640xf32, #tpu.memory_space<hbm>>)
      tpu.yield
    }) : () -> ()
    %mul3A_66 = arith.constant 640 : i32
    %mul3A_67 = arith.muli %arg1, %mul3A_66 : i32
    %mul3A_68 = arith.constant 2 : i32
    %mul3A_69 = arith.muli %mul3A_68, %arg0 : i32
    %add3A_70 = arith.constant 1 : i32
    %add3A_71 = arith.addi %mul3A_69, %add3A_70 : i32
    %mul3A_72 = arith.constant 10240 : i32
    %mul3A_73 = arith.muli %add3A_71, %mul3A_72 : i32
    %mul3A_74 = arith.constant 640 : i32
    %mul3A_75 = arith.muli %arg1, %mul3A_74 : i32
    %add3A_76 = arith.addi %mul3A_73, %mul3A_75 : i32
    "tpu.region"() ({
      %run_scoped3A = tpu.sem_alloc : memref<!tpu.dma_semaphore, #tpu.memory_space<semaphore_mem>>
      %dma_start3A_77 = tpu.memref_slice %arg5[%add3A_76] : memref<40960xf32, #tpu.memory_space<hbm>> -> memref<640xf32, #tpu.memory_space<hbm>>
      %dma_start3A_78 = tpu.memref_slice %arg7[%mul3A_67] : memref<10240xf32, #tpu.memory_space<vmem_shared>> -> memref<640xf32, #tpu.memory_space<vmem_shared>>
      tpu.enqueue_dma source(%dma_start3A_78 : memref<640xf32, #tpu.memory_space<vmem_shared>>) target(%dma_start3A_77 : memref<640xf32, #tpu.memory_space<hbm>>) target_semaphore(%run_scoped3A : memref<!tpu.dma_semaphore, #tpu.memory_space<semaphore_mem>>)
      %dma_wait3A_79 = tpu.memref_slice %arg5[%add3A_76] : memref<40960xf32, #tpu.memory_space<hbm>> -> memref<640xf32, #tpu.memory_space<hbm>>
      %dma_wait3A_80 = tpu.memref_slice %arg7[%mul3A_67] : memref<10240xf32, #tpu.memory_space<vmem_shared>> -> memref<640xf32, #tpu.memory_space<vmem_shared>>
      tpu.wait_dma2 semaphore(%run_scoped3A : memref<!tpu.dma_semaphore, #tpu.memory_space<semaphore_mem>>) src(%dma_wait3A_80 : memref<640xf32, #tpu.memory_space<vmem_shared>>) dst(%dma_wait3A_79 : memref<640xf32, #tpu.memory_space<hbm>>)
      tpu.yield
    }) : () -> ()
    return
  }
}

#map = affine_map<(d0, d1) -> (0, 0)>
#map1 = affine_map<(d0, d1) -> (0)>
#map2 = affine_map<(d0, d1) -> (0, 0, 0)>
module attributes {stable_mosaic.version = 14 : i64} {
  func.func @_spmm_body(%arg0: i32, %arg1: i32, %arg2: memref<10000x128xf32, #tpu.memory_space<hbm>>, %arg3: memref<320000xi32, #tpu.memory_space<hbm>>, %arg4: memref<32x125x80xi32, #tpu.memory_space<hbm>>, %arg5: memref<10240x128xf32, #tpu.memory_space<hbm>>, %arg6: memref<20480x128xf32, #tpu.memory_space<hbm>>, %arg7: memref<10240x128xf32, #tpu.memory_space<vmem_shared>>, %arg8: memref<10000xi32, #tpu.memory_space<vmem>>, %arg9: memref<125x80xi32, #tpu.memory_space<vmem>>, %arg10: memref<80x128xf32, #tpu.memory_space<vmem>>, %arg11: memref<80x128xf32, #tpu.memory_space<vmem>>, %arg12: memref<!tpu.dma_semaphore, #tpu.memory_space<semaphore_mem>>, %arg13: memref<!tpu.dma_semaphore, #tpu.memory_space<semaphore_mem>>) attributes {dimension_semantics = [#tpu.dimension_semantics<core_parallel>, #tpu.dimension_semantics<subcore_parallel>], iteration_bounds = array<i64: 2, 16>, scalar_prefetch = 0 : i64, scratch_operands = 7 : i64, tpu.core_type = #tpu.core_type<sc_vector_subcore>, window_params = [{transform_indices = #map}, {transform_indices = #map1}, {transform_indices = #map2}, {transform_indices = #map}, {transform_indices = #map}]} {
    %mul3A = arith.constant 16 : i32
    %mul3A_0 = arith.muli %arg0, %mul3A : i32
    %add3A = arith.addi %mul3A_0, %arg1 : i32
    %mul3A_1 = arith.constant 640 : i32
    %mul3A_2 = arith.muli %arg1, %mul3A_1 : i32
    %mul3A_3 = arith.constant 640 : i32
    %mul3A_4 = arith.muli %arg1, %mul3A_3 : i32
    "tpu.region"() ({
      %run_scoped3A_28 = tpu.sem_alloc : memref<!tpu.dma_semaphore, #tpu.memory_space<semaphore_mem>>
      %dma_start3A_29 = arith.constant 0 : i32
      %dma_start3A_30 = tpu.memref_slice %arg7[%mul3A_4, %dma_start3A_29] : memref<10240x128xf32, #tpu.memory_space<vmem_shared>> -> memref<640x128xf32, #tpu.memory_space<vmem_shared>>
      %dma_start3A_31 = arith.constant 0 : i32
      %dma_start3A_32 = tpu.memref_slice %arg5[%mul3A_2, %dma_start3A_31] : memref<10240x128xf32, #tpu.memory_space<hbm>> -> memref<640x128xf32, #tpu.memory_space<hbm>>
      tpu.enqueue_dma source(%dma_start3A_32 : memref<640x128xf32, #tpu.memory_space<hbm>>) target(%dma_start3A_30 : memref<640x128xf32, #tpu.memory_space<vmem_shared>>) target_semaphore(%run_scoped3A_28 : memref<!tpu.dma_semaphore, #tpu.memory_space<semaphore_mem>>)
      %dma_wait3A_33 = arith.constant 0 : i32
      %dma_wait3A_34 = tpu.memref_slice %arg7[%mul3A_4, %dma_wait3A_33] : memref<10240x128xf32, #tpu.memory_space<vmem_shared>> -> memref<640x128xf32, #tpu.memory_space<vmem_shared>>
      %dma_wait3A_35 = arith.constant 0 : i32
      %dma_wait3A_36 = tpu.memref_slice %arg5[%mul3A_2, %dma_wait3A_35] : memref<10240x128xf32, #tpu.memory_space<hbm>> -> memref<640x128xf32, #tpu.memory_space<hbm>>
      tpu.wait_dma2 semaphore(%run_scoped3A_28 : memref<!tpu.dma_semaphore, #tpu.memory_space<semaphore_mem>>) src(%dma_wait3A_36 : memref<640x128xf32, #tpu.memory_space<hbm>>) dst(%dma_wait3A_34 : memref<640x128xf32, #tpu.memory_space<vmem_shared>>)
      tpu.yield
    }) : () -> ()
    %mul3A_5 = arith.constant 10000 : i32
    %mul3A_6 = arith.muli %add3A, %mul3A_5 : i32
    "tpu.region"() ({
      %run_scoped3A_28 = tpu.sem_alloc : memref<!tpu.dma_semaphore, #tpu.memory_space<semaphore_mem>>
      %dma_start3A_29 = tpu.memref_slice %arg3[%mul3A_6] : memref<320000xi32, #tpu.memory_space<hbm>> -> memref<10000xi32, #tpu.memory_space<hbm>>
      %dma_start3A_30 = tpu.memref_slice %arg3[%mul3A_6] : memref<320000xi32, #tpu.memory_space<hbm>> -> memref<10000xi32, #tpu.memory_space<hbm>>
      tpu.enqueue_dma source(%dma_start3A_30 : memref<10000xi32, #tpu.memory_space<hbm>>) target(%arg8 : memref<10000xi32, #tpu.memory_space<vmem>>) target_semaphore(%run_scoped3A_28 : memref<!tpu.dma_semaphore, #tpu.memory_space<semaphore_mem>>)
      %dma_wait3A_31 = tpu.memref_slice %arg3[%mul3A_6] : memref<320000xi32, #tpu.memory_space<hbm>> -> memref<10000xi32, #tpu.memory_space<hbm>>
      %dma_wait3A_32 = tpu.memref_slice %arg3[%mul3A_6] : memref<320000xi32, #tpu.memory_space<hbm>> -> memref<10000xi32, #tpu.memory_space<hbm>>
      tpu.wait_dma2 semaphore(%run_scoped3A_28 : memref<!tpu.dma_semaphore, #tpu.memory_space<semaphore_mem>>) src(%dma_wait3A_32 : memref<10000xi32, #tpu.memory_space<hbm>>) dst(%arg8 : memref<10000xi32, #tpu.memory_space<vmem>>)
      tpu.yield
    }) : () -> ()
    "tpu.region"() ({
      %run_scoped3A_28 = tpu.sem_alloc : memref<!tpu.dma_semaphore, #tpu.memory_space<semaphore_mem>>
      %dma_start3A_29 = arith.constant 0 : i32
      %dma_start3A_30 = arith.constant 0 : i32
      %dma_start3A_31 = tpu.memref_slice %arg4[%add3A, %dma_start3A_29, %dma_start3A_30] : memref<32x125x80xi32, #tpu.memory_space<hbm>> -> memref<1x125x80xi32, #tpu.memory_space<hbm>>
      %dma_start3A_32 = tpu.memref_squeeze %dma_start3A_31 : memref<1x125x80xi32, #tpu.memory_space<hbm>> -> memref<125x80xi32, #tpu.memory_space<hbm>>
      %dma_start3A_33 = arith.constant 0 : i32
      %dma_start3A_34 = arith.constant 0 : i32
      %dma_start3A_35 = tpu.memref_slice %arg4[%add3A, %dma_start3A_33, %dma_start3A_34] : memref<32x125x80xi32, #tpu.memory_space<hbm>> -> memref<1x125x80xi32, #tpu.memory_space<hbm>>
      %dma_start3A_36 = tpu.memref_squeeze %dma_start3A_35 : memref<1x125x80xi32, #tpu.memory_space<hbm>> -> memref<125x80xi32, #tpu.memory_space<hbm>>
      tpu.enqueue_dma source(%dma_start3A_36 : memref<125x80xi32, #tpu.memory_space<hbm>>) target(%arg9 : memref<125x80xi32, #tpu.memory_space<vmem>>) target_semaphore(%run_scoped3A_28 : memref<!tpu.dma_semaphore, #tpu.memory_space<semaphore_mem>>)
      %dma_wait3A_37 = arith.constant 0 : i32
      %dma_wait3A_38 = arith.constant 0 : i32
      %dma_wait3A_39 = tpu.memref_slice %arg4[%add3A, %dma_wait3A_37, %dma_wait3A_38] : memref<32x125x80xi32, #tpu.memory_space<hbm>> -> memref<1x125x80xi32, #tpu.memory_space<hbm>>
      %dma_wait3A_40 = tpu.memref_squeeze %dma_wait3A_39 : memref<1x125x80xi32, #tpu.memory_space<hbm>> -> memref<125x80xi32, #tpu.memory_space<hbm>>
      %dma_wait3A_41 = arith.constant 0 : i32
      %dma_wait3A_42 = arith.constant 0 : i32
      %dma_wait3A_43 = tpu.memref_slice %arg4[%add3A, %dma_wait3A_41, %dma_wait3A_42] : memref<32x125x80xi32, #tpu.memory_space<hbm>> -> memref<1x125x80xi32, #tpu.memory_space<hbm>>
      %dma_wait3A_44 = tpu.memref_squeeze %dma_wait3A_43 : memref<1x125x80xi32, #tpu.memory_space<hbm>> -> memref<125x80xi32, #tpu.memory_space<hbm>>
      tpu.wait_dma2 semaphore(%run_scoped3A_28 : memref<!tpu.dma_semaphore, #tpu.memory_space<semaphore_mem>>) src(%dma_wait3A_44 : memref<125x80xi32, #tpu.memory_space<hbm>>) dst(%arg9 : memref<125x80xi32, #tpu.memory_space<vmem>>)
      tpu.yield
    }) : () -> ()
    %barrier3A = arith.constant 0 : index
    tpu.barrier barrier_id(%barrier3A)
    %dma_start3A = arith.constant 0 : i32
    %dma_start3A_7 = tpu.memref_slice %arg8[%dma_start3A] : memref<10000xi32, #tpu.memory_space<vmem>> -> memref<80xi32, #tpu.memory_space<vmem>>
    %dma_start3A_8 = arith.constant 0 : i32
    %dma_start3A_9 = arith.constant 0 : i32
    %dma_start3A_10 = tpu.memref_slice %arg2[%dma_start3A_8, %dma_start3A_9] : memref<10000x128xf32, #tpu.memory_space<hbm>> -> memref<10000x128xf32, #tpu.memory_space<hbm>>
    tpu.enqueue_indirect_dma source(%dma_start3A_10 : memref<10000x128xf32, #tpu.memory_space<hbm>>) target(%arg10 : memref<80x128xf32, #tpu.memory_space<vmem>>) offsets(%dma_start3A_7 : memref<80xi32, #tpu.memory_space<vmem>>) semaphore(%arg12 : memref<!tpu.dma_semaphore, #tpu.memory_space<semaphore_mem>>)
    %scan3A = arith.constant 0 : i32
    %scan3A_11 = arith.constant 0 : i32
    %scan3A_12 = arith.constant 62 : i32
    %scan3A_13 = arith.addi %scan3A_11, %scan3A_12 : i32
    %scan3A_14 = arith.constant 1 : i32
    scf.for %scan3A_28 = %scan3A_11 to %scan3A_13 step %scan3A_14  : i32 {
      %mul3A_29 = arith.constant 2 : i32
      %mul3A_30 = arith.muli %mul3A_29, %scan3A_28 : i32
      %add3A_31 = arith.constant 1 : i32
      %add3A_32 = arith.addi %mul3A_30, %add3A_31 : i32
      %mul3A_33 = arith.constant 80 : i32
      %mul3A_34 = arith.muli %add3A_32, %mul3A_33 : i32
      %dma_start3A_35 = tpu.memref_slice %arg8[%mul3A_34] : memref<10000xi32, #tpu.memory_space<vmem>> -> memref<80xi32, #tpu.memory_space<vmem>>
      %dma_start3A_36 = arith.constant 0 : i32
      %dma_start3A_37 = arith.constant 0 : i32
      %dma_start3A_38 = tpu.memref_slice %arg2[%dma_start3A_36, %dma_start3A_37] : memref<10000x128xf32, #tpu.memory_space<hbm>> -> memref<10000x128xf32, #tpu.memory_space<hbm>>
      tpu.enqueue_indirect_dma source(%dma_start3A_38 : memref<10000x128xf32, #tpu.memory_space<hbm>>) target(%arg11 : memref<80x128xf32, #tpu.memory_space<vmem>>) offsets(%dma_start3A_35 : memref<80xi32, #tpu.memory_space<vmem>>) semaphore(%arg13 : memref<!tpu.dma_semaphore, #tpu.memory_space<semaphore_mem>>)
      %mul3A_39 = arith.constant 80 : i32
      %mul3A_40 = arith.muli %mul3A_30, %mul3A_39 : i32
      %dma_wait3A_41 = tpu.memref_slice %arg8[%mul3A_40] : memref<10000xi32, #tpu.memory_space<vmem>> -> memref<80xi32, #tpu.memory_space<vmem>>
      %dma_wait3A_42 = arith.constant 0 : i32
      %dma_wait3A_43 = arith.constant 0 : i32
      %dma_wait3A_44 = tpu.memref_slice %arg2[%dma_wait3A_42, %dma_wait3A_43] : memref<10000x128xf32, #tpu.memory_space<hbm>> -> memref<10000x128xf32, #tpu.memory_space<hbm>>
      tpu.wait_indirect_dma semaphore(%arg12 : memref<!tpu.dma_semaphore, #tpu.memory_space<semaphore_mem>>) src(%dma_wait3A_44 : memref<10000x128xf32, #tpu.memory_space<hbm>>) dst(%arg10 : memref<80x128xf32, #tpu.memory_space<vmem>>)
      "tpu.region"() ({
        %run_scoped3A_63 = tpu.sem_alloc : memref<!tpu.dma_semaphore, #tpu.memory_space<semaphore_mem>>
        %dma_start3A_64 = arith.constant 0 : i32
        %dma_start3A_65 = tpu.memref_slice %arg9[%mul3A_30, %dma_start3A_64] : memref<125x80xi32, #tpu.memory_space<vmem>> -> memref<1x80xi32, #tpu.memory_space<vmem>>
        %dma_start3A_66 = tpu.memref_squeeze %dma_start3A_65 : memref<1x80xi32, #tpu.memory_space<vmem>> -> memref<80xi32, #tpu.memory_space<vmem>>
        %dma_start3A_67 = arith.constant 0 : i32
        %dma_start3A_68 = arith.constant 0 : i32
        %dma_start3A_69 = tpu.memref_slice %arg7[%dma_start3A_67, %dma_start3A_68] : memref<10240x128xf32, #tpu.memory_space<vmem_shared>> -> memref<10240x128xf32, #tpu.memory_space<vmem_shared>>
        tpu.enqueue_indirect_dma source(%arg10 : memref<80x128xf32, #tpu.memory_space<vmem>>) target(%dma_start3A_69 : memref<10240x128xf32, #tpu.memory_space<vmem_shared>>) offsets(%dma_start3A_66 : memref<80xi32, #tpu.memory_space<vmem>>) semaphore(%run_scoped3A_63 : memref<!tpu.dma_semaphore, #tpu.memory_space<semaphore_mem>>) {add = true}
        %dma_wait3A_70 = arith.constant 0 : i32
        %dma_wait3A_71 = tpu.memref_slice %arg9[%mul3A_30, %dma_wait3A_70] : memref<125x80xi32, #tpu.memory_space<vmem>> -> memref<1x80xi32, #tpu.memory_space<vmem>>
        %dma_wait3A_72 = tpu.memref_squeeze %dma_wait3A_71 : memref<1x80xi32, #tpu.memory_space<vmem>> -> memref<80xi32, #tpu.memory_space<vmem>>
        %dma_wait3A_73 = arith.constant 0 : i32
        %dma_wait3A_74 = arith.constant 0 : i32
        %dma_wait3A_75 = tpu.memref_slice %arg7[%dma_wait3A_73, %dma_wait3A_74] : memref<10240x128xf32, #tpu.memory_space<vmem_shared>> -> memref<10240x128xf32, #tpu.memory_space<vmem_shared>>
        tpu.wait_indirect_dma semaphore(%run_scoped3A_63 : memref<!tpu.dma_semaphore, #tpu.memory_space<semaphore_mem>>) src(%arg10 : memref<80x128xf32, #tpu.memory_space<vmem>>) dst(%dma_wait3A_75 : memref<10240x128xf32, #tpu.memory_space<vmem_shared>>)
        tpu.yield
      }) : () -> ()
      %add3A_45 = arith.constant 2 : i32
      %add3A_46 = arith.addi %mul3A_30, %add3A_45 : i32
      %mul3A_47 = arith.constant 80 : i32
      %mul3A_48 = arith.muli %add3A_46, %mul3A_47 : i32
      %dma_start3A_49 = tpu.memref_slice %arg8[%mul3A_48] : memref<10000xi32, #tpu.memory_space<vmem>> -> memref<80xi32, #tpu.memory_space<vmem>>
      %dma_start3A_50 = arith.constant 0 : i32
      %dma_start3A_51 = arith.constant 0 : i32
      %dma_start3A_52 = tpu.memref_slice %arg2[%dma_start3A_50, %dma_start3A_51] : memref<10000x128xf32, #tpu.memory_space<hbm>> -> memref<10000x128xf32, #tpu.memory_space<hbm>>
      tpu.enqueue_indirect_dma source(%dma_start3A_52 : memref<10000x128xf32, #tpu.memory_space<hbm>>) target(%arg10 : memref<80x128xf32, #tpu.memory_space<vmem>>) offsets(%dma_start3A_49 : memref<80xi32, #tpu.memory_space<vmem>>) semaphore(%arg12 : memref<!tpu.dma_semaphore, #tpu.memory_space<semaphore_mem>>)
      %add3A_53 = arith.constant 1 : i32
      %add3A_54 = arith.addi %mul3A_30, %add3A_53 : i32
      %mul3A_55 = arith.constant 80 : i32
      %mul3A_56 = arith.muli %add3A_54, %mul3A_55 : i32
      %dma_wait3A_57 = tpu.memref_slice %arg8[%mul3A_56] : memref<10000xi32, #tpu.memory_space<vmem>> -> memref<80xi32, #tpu.memory_space<vmem>>
      %dma_wait3A_58 = arith.constant 0 : i32
      %dma_wait3A_59 = arith.constant 0 : i32
      %dma_wait3A_60 = tpu.memref_slice %arg2[%dma_wait3A_58, %dma_wait3A_59] : memref<10000x128xf32, #tpu.memory_space<hbm>> -> memref<10000x128xf32, #tpu.memory_space<hbm>>
      tpu.wait_indirect_dma semaphore(%arg13 : memref<!tpu.dma_semaphore, #tpu.memory_space<semaphore_mem>>) src(%dma_wait3A_60 : memref<10000x128xf32, #tpu.memory_space<hbm>>) dst(%arg11 : memref<80x128xf32, #tpu.memory_space<vmem>>)
      %add3A_61 = arith.constant 1 : i32
      %add3A_62 = arith.addi %mul3A_30, %add3A_61 : i32
      "tpu.region"() ({
        %run_scoped3A_63 = tpu.sem_alloc : memref<!tpu.dma_semaphore, #tpu.memory_space<semaphore_mem>>
        %dma_start3A_64 = arith.constant 0 : i32
        %dma_start3A_65 = tpu.memref_slice %arg9[%add3A_62, %dma_start3A_64] : memref<125x80xi32, #tpu.memory_space<vmem>> -> memref<1x80xi32, #tpu.memory_space<vmem>>
        %dma_start3A_66 = tpu.memref_squeeze %dma_start3A_65 : memref<1x80xi32, #tpu.memory_space<vmem>> -> memref<80xi32, #tpu.memory_space<vmem>>
        %dma_start3A_67 = arith.constant 0 : i32
        %dma_start3A_68 = arith.constant 0 : i32
        %dma_start3A_69 = tpu.memref_slice %arg7[%dma_start3A_67, %dma_start3A_68] : memref<10240x128xf32, #tpu.memory_space<vmem_shared>> -> memref<10240x128xf32, #tpu.memory_space<vmem_shared>>
        tpu.enqueue_indirect_dma source(%arg11 : memref<80x128xf32, #tpu.memory_space<vmem>>) target(%dma_start3A_69 : memref<10240x128xf32, #tpu.memory_space<vmem_shared>>) offsets(%dma_start3A_66 : memref<80xi32, #tpu.memory_space<vmem>>) semaphore(%run_scoped3A_63 : memref<!tpu.dma_semaphore, #tpu.memory_space<semaphore_mem>>) {add = true}
        %dma_wait3A_70 = arith.constant 0 : i32
        %dma_wait3A_71 = tpu.memref_slice %arg9[%add3A_62, %dma_wait3A_70] : memref<125x80xi32, #tpu.memory_space<vmem>> -> memref<1x80xi32, #tpu.memory_space<vmem>>
        %dma_wait3A_72 = tpu.memref_squeeze %dma_wait3A_71 : memref<1x80xi32, #tpu.memory_space<vmem>> -> memref<80xi32, #tpu.memory_space<vmem>>
        %dma_wait3A_73 = arith.constant 0 : i32
        %dma_wait3A_74 = arith.constant 0 : i32
        %dma_wait3A_75 = tpu.memref_slice %arg7[%dma_wait3A_73, %dma_wait3A_74] : memref<10240x128xf32, #tpu.memory_space<vmem_shared>> -> memref<10240x128xf32, #tpu.memory_space<vmem_shared>>
        tpu.wait_indirect_dma semaphore(%run_scoped3A_63 : memref<!tpu.dma_semaphore, #tpu.memory_space<semaphore_mem>>) src(%arg11 : memref<80x128xf32, #tpu.memory_space<vmem>>) dst(%dma_wait3A_75 : memref<10240x128xf32, #tpu.memory_space<vmem_shared>>)
        tpu.yield
      }) : () -> ()
    }
    %scan3A_15 = arith.constant 62 : i32
    %dma_wait3A = arith.constant 9920 : i32
    %dma_wait3A_16 = tpu.memref_slice %arg8[%dma_wait3A] : memref<10000xi32, #tpu.memory_space<vmem>> -> memref<80xi32, #tpu.memory_space<vmem>>
    %dma_wait3A_17 = arith.constant 0 : i32
    %dma_wait3A_18 = arith.constant 0 : i32
    %dma_wait3A_19 = tpu.memref_slice %arg2[%dma_wait3A_17, %dma_wait3A_18] : memref<10000x128xf32, #tpu.memory_space<hbm>> -> memref<10000x128xf32, #tpu.memory_space<hbm>>
    tpu.wait_indirect_dma semaphore(%arg12 : memref<!tpu.dma_semaphore, #tpu.memory_space<semaphore_mem>>) src(%dma_wait3A_19 : memref<10000x128xf32, #tpu.memory_space<hbm>>) dst(%arg10 : memref<80x128xf32, #tpu.memory_space<vmem>>)
    %run_scoped3A = arith.constant 124 : i32
    "tpu.region"() ({
      %run_scoped3A_28 = tpu.sem_alloc : memref<!tpu.dma_semaphore, #tpu.memory_space<semaphore_mem>>
      %dma_start3A_29 = arith.constant 0 : i32
      %dma_start3A_30 = tpu.memref_slice %arg9[%run_scoped3A, %dma_start3A_29] : memref<125x80xi32, #tpu.memory_space<vmem>> -> memref<1x80xi32, #tpu.memory_space<vmem>>
      %dma_start3A_31 = tpu.memref_squeeze %dma_start3A_30 : memref<1x80xi32, #tpu.memory_space<vmem>> -> memref<80xi32, #tpu.memory_space<vmem>>
      %dma_start3A_32 = arith.constant 0 : i32
      %dma_start3A_33 = arith.constant 0 : i32
      %dma_start3A_34 = tpu.memref_slice %arg7[%dma_start3A_32, %dma_start3A_33] : memref<10240x128xf32, #tpu.memory_space<vmem_shared>> -> memref<10240x128xf32, #tpu.memory_space<vmem_shared>>
      tpu.enqueue_indirect_dma source(%arg10 : memref<80x128xf32, #tpu.memory_space<vmem>>) target(%dma_start3A_34 : memref<10240x128xf32, #tpu.memory_space<vmem_shared>>) offsets(%dma_start3A_31 : memref<80xi32, #tpu.memory_space<vmem>>) semaphore(%run_scoped3A_28 : memref<!tpu.dma_semaphore, #tpu.memory_space<semaphore_mem>>) {add = true}
      %dma_wait3A_35 = arith.constant 0 : i32
      %dma_wait3A_36 = tpu.memref_slice %arg9[%run_scoped3A, %dma_wait3A_35] : memref<125x80xi32, #tpu.memory_space<vmem>> -> memref<1x80xi32, #tpu.memory_space<vmem>>
      %dma_wait3A_37 = tpu.memref_squeeze %dma_wait3A_36 : memref<1x80xi32, #tpu.memory_space<vmem>> -> memref<80xi32, #tpu.memory_space<vmem>>
      %dma_wait3A_38 = arith.constant 0 : i32
      %dma_wait3A_39 = arith.constant 0 : i32
      %dma_wait3A_40 = tpu.memref_slice %arg7[%dma_wait3A_38, %dma_wait3A_39] : memref<10240x128xf32, #tpu.memory_space<vmem_shared>> -> memref<10240x128xf32, #tpu.memory_space<vmem_shared>>
      tpu.wait_indirect_dma semaphore(%run_scoped3A_28 : memref<!tpu.dma_semaphore, #tpu.memory_space<semaphore_mem>>) src(%arg10 : memref<80x128xf32, #tpu.memory_space<vmem>>) dst(%dma_wait3A_40 : memref<10240x128xf32, #tpu.memory_space<vmem_shared>>)
      tpu.yield
    }) : () -> ()
    %barrier3A_20 = arith.constant 0 : index
    tpu.barrier barrier_id(%barrier3A_20)
    %mul3A_21 = arith.constant 640 : i32
    %mul3A_22 = arith.muli %arg1, %mul3A_21 : i32
    %mul3A_23 = arith.constant 10240 : i32
    %mul3A_24 = arith.muli %arg0, %mul3A_23 : i32
    %mul3A_25 = arith.constant 640 : i32
    %mul3A_26 = arith.muli %arg1, %mul3A_25 : i32
    %add3A_27 = arith.addi %mul3A_24, %mul3A_26 : i32
    "tpu.region"() ({
      %run_scoped3A_28 = tpu.sem_alloc : memref<!tpu.dma_semaphore, #tpu.memory_space<semaphore_mem>>
      %dma_start3A_29 = arith.constant 0 : i32
      %dma_start3A_30 = tpu.memref_slice %arg6[%add3A_27, %dma_start3A_29] : memref<20480x128xf32, #tpu.memory_space<hbm>> -> memref<640x128xf32, #tpu.memory_space<hbm>>
      %dma_start3A_31 = arith.constant 0 : i32
      %dma_start3A_32 = tpu.memref_slice %arg7[%mul3A_22, %dma_start3A_31] : memref<10240x128xf32, #tpu.memory_space<vmem_shared>> -> memref<640x128xf32, #tpu.memory_space<vmem_shared>>
      tpu.enqueue_dma source(%dma_start3A_32 : memref<640x128xf32, #tpu.memory_space<vmem_shared>>) target(%dma_start3A_30 : memref<640x128xf32, #tpu.memory_space<hbm>>) target_semaphore(%run_scoped3A_28 : memref<!tpu.dma_semaphore, #tpu.memory_space<semaphore_mem>>)
      %dma_wait3A_33 = arith.constant 0 : i32
      %dma_wait3A_34 = tpu.memref_slice %arg6[%add3A_27, %dma_wait3A_33] : memref<20480x128xf32, #tpu.memory_space<hbm>> -> memref<640x128xf32, #tpu.memory_space<hbm>>
      %dma_wait3A_35 = arith.constant 0 : i32
      %dma_wait3A_36 = tpu.memref_slice %arg7[%mul3A_22, %dma_wait3A_35] : memref<10240x128xf32, #tpu.memory_space<vmem_shared>> -> memref<640x128xf32, #tpu.memory_space<vmem_shared>>
      tpu.wait_dma2 semaphore(%run_scoped3A_28 : memref<!tpu.dma_semaphore, #tpu.memory_space<semaphore_mem>>) src(%dma_wait3A_36 : memref<640x128xf32, #tpu.memory_space<vmem_shared>>) dst(%dma_wait3A_34 : memref<640x128xf32, #tpu.memory_space<hbm>>)
      tpu.yield
    }) : () -> ()
    return
  }
}

module attributes {stable_mosaic.version = 14 : i64} {
  func.func @_scale_body(%arg0: memref<4x10240xf32, #tpu.memory_space<vmem>>, %arg1: memref<3x10240xf32, #tpu.memory_space<vmem>>) attributes {dimension_semantics = [], scalar_prefetch = 0 : i64, scratch_operands = 0 : i64, tpu.core_type = #tpu.core_type<tc>} {
    %get3A = arith.constant 0 : index
    %get3A_0 = arith.constant 0 : index
    %get3A_1 = vector.load %arg0[%get3A, %get3A_0] : memref<4x10240xf32, #tpu.memory_space<vmem>>, vector<4x10240xf32>
    %slice3A = vector.extract_strided_slice %get3A_1 {offsets = [0, 0], sizes = [1, 10240], strides = [1, 1]} : vector<4x10240xf32> to vector<1x10240xf32>
    %squeeze3A = vector.shape_cast %slice3A : vector<1x10240xf32> to vector<10240xf32>
    %slice3A_2 = vector.extract_strided_slice %get3A_1 {offsets = [2, 0], sizes = [1, 10240], strides = [1, 1]} : vector<4x10240xf32> to vector<1x10240xf32>
    %squeeze3A_3 = vector.shape_cast %slice3A_2 : vector<1x10240xf32> to vector<10240xf32>
    %add3A = arith.addf %squeeze3A, %squeeze3A_3 : vector<10240xf32>
    %max3A = arith.constant 1.000000e+00 : f32
    %max3A_4 = vector.broadcast %max3A : f32 to vector<10240xf32>
    %max3A_5 = arith.maximumf %add3A, %max3A_4 : vector<10240xf32>
    %rsqrt3A = math.rsqrt %max3A_5 : vector<10240xf32>
    %slice3A_6 = vector.extract_strided_slice %get3A_1 {offsets = [1, 0], sizes = [1, 10240], strides = [1, 1]} : vector<4x10240xf32> to vector<1x10240xf32>
    %squeeze3A_7 = vector.shape_cast %slice3A_6 : vector<1x10240xf32> to vector<10240xf32>
    %slice3A_8 = vector.extract_strided_slice %get3A_1 {offsets = [3, 0], sizes = [1, 10240], strides = [1, 1]} : vector<4x10240xf32> to vector<1x10240xf32>
    %squeeze3A_9 = vector.shape_cast %slice3A_8 : vector<1x10240xf32> to vector<10240xf32>
    %add3A_10 = arith.addf %squeeze3A_7, %squeeze3A_9 : vector<10240xf32>
    %max3A_11 = arith.constant 1.000000e+00 : f32
    %max3A_12 = vector.broadcast %max3A_11 : f32 to vector<10240xf32>
    %max3A_13 = arith.maximumf %add3A_10, %max3A_12 : vector<10240xf32>
    %rsqrt3A_14 = math.rsqrt %max3A_13 : vector<10240xf32>
    %mul3A = arith.mulf %rsqrt3A, %rsqrt3A_14 : vector<10240xf32>
    %stack3A = vector.shape_cast %rsqrt3A : vector<10240xf32> to vector<1x10240xf32>
    %stack3A_15 = vector.shape_cast %rsqrt3A_14 : vector<10240xf32> to vector<1x10240xf32>
    %stack3A_16 = vector.shape_cast %mul3A : vector<10240xf32> to vector<1x10240xf32>
    %stack3A_17 = tpu.concatenate %stack3A, %stack3A_15, %stack3A_16 in 0 : vector<1x10240xf32>, vector<1x10240xf32>, vector<1x10240xf32> -> vector<3x10240xf32>
    %swap3A = arith.constant 0 : index
    %swap3A_18 = arith.constant 0 : index
    %swap3A_19 = vector.load %arg1[%swap3A, %swap3A_18] : memref<3x10240xf32, #tpu.memory_space<vmem>>, vector<3x10240xf32>
    tpu.vector_store %arg1[%swap3A, %swap3A_18], %stack3A_17 {strides = array<i32>} : memref<3x10240xf32, #tpu.memory_space<vmem>>, vector<3x10240xf32>,
    return
  }
}

module attributes {stable_mosaic.version = 14 : i64} {
  func.func @_ew_body(%arg0: i32, %arg1: memref<1000x128xf32, #tpu.memory_space<vmem>>, %arg2: memref<1000x128xf32, #tpu.memory_space<vmem>>, %arg3: memref<1000x128xf32, #tpu.memory_space<vmem>>, %arg4: memref<1000x1xf32, #tpu.memory_space<vmem>>, %arg5: memref<1000x1xf32, #tpu.memory_space<vmem>>, %arg6: memref<1000x128xf32, #tpu.memory_space<vmem>>, %arg7: memref<1000x128xf32, #tpu.memory_space<vmem>>) attributes {dimension_semantics = [#tpu.dimension_semantics<arbitrary>], iteration_bounds = array<i64: 10>, scalar_prefetch = 0 : i64, scratch_operands = 0 : i64, tpu.core_type = #tpu.core_type<tc>, window_params = [{transform_indices = @transform_0, window_bounds = array<i64: 1000, 128>}, {transform_indices = @transform_1, window_bounds = array<i64: 1000, 128>}, {transform_indices = @transform_2, window_bounds = array<i64: 1000, 128>}, {transform_indices = @transform_3, window_bounds = array<i64: 1000, 1>}, {transform_indices = @transform_4, window_bounds = array<i64: 1000, 1>}, {transform_indices = @transform_5, window_bounds = array<i64: 1000, 128>}, {transform_indices = @transform_6, window_bounds = array<i64: 1000, 128>}]} {
    %get3A = arith.constant 0 : index
    %get3A_0 = arith.constant 0 : index
    %get3A_1 = vector.load %arg1[%get3A, %get3A_0] : memref<1000x128xf32, #tpu.memory_space<vmem>>, vector<1000x128xf32>
    %get3A_2 = arith.constant 0 : index
    %get3A_3 = arith.constant 0 : index
    %get3A_4 = vector.load %arg2[%get3A_2, %get3A_3] : memref<1000x128xf32, #tpu.memory_space<vmem>>, vector<1000x128xf32>
    %add3A = arith.addf %get3A_1, %get3A_4 : vector<1000x128xf32>
    %get3A_5 = arith.constant 0 : index
    %get3A_6 = arith.constant 0 : index
    %get3A_7 = vector.load %arg3[%get3A_5, %get3A_6] : memref<1000x128xf32, #tpu.memory_space<vmem>>, vector<1000x128xf32>
    %get3A_8 = arith.constant 0 : index
    %get3A_9 = arith.constant 0 : index
    %get3A_10 = vector.load %arg4[%get3A_8, %get3A_9] : memref<1000x1xf32, #tpu.memory_space<vmem>>, vector<1000x1xf32>
    %mul3A = vector.broadcast %get3A_10 : vector<1000x1xf32> to vector<1000x128xf32>
    %mul3A_11 = arith.mulf %mul3A, %add3A : vector<1000x128xf32>
    %add3A_12 = arith.addf %get3A_7, %mul3A_11 : vector<1000x128xf32>
    %swap3A = arith.constant 0 : index
    %swap3A_13 = arith.constant 0 : index
    %swap3A_14 = vector.load %arg6[%swap3A, %swap3A_13] : memref<1000x128xf32, #tpu.memory_space<vmem>>, vector<1000x128xf32>
    tpu.vector_store %arg6[%swap3A, %swap3A_13], %add3A_12 {strides = array<i32>} : memref<1000x128xf32, #tpu.memory_space<vmem>>, vector<1000x128xf32>,
    %get3A_15 = arith.constant 0 : index
    %get3A_16 = arith.constant 0 : index
    %get3A_17 = vector.load %arg5[%get3A_15, %get3A_16] : memref<1000x1xf32, #tpu.memory_space<vmem>>, vector<1000x1xf32>
    %mul3A_18 = vector.broadcast %get3A_17 : vector<1000x1xf32> to vector<1000x128xf32>
    %mul3A_19 = arith.mulf %mul3A_18, %add3A : vector<1000x128xf32>
    %swap3A_20 = arith.constant 0 : index
    %swap3A_21 = arith.constant 0 : index
    %swap3A_22 = vector.load %arg7[%swap3A_20, %swap3A_21] : memref<1000x128xf32, #tpu.memory_space<vmem>>, vector<1000x128xf32>
    tpu.vector_store %arg7[%swap3A_20, %swap3A_21], %mul3A_19 {strides = array<i32>} : memref<1000x128xf32, #tpu.memory_space<vmem>>, vector<1000x128xf32>,
    return
  }
  func.func @transform_0(%arg0: i32) -> (i32, i32) {
    %c0_i32 = arith.constant 0 : i32
    %c0_i32_0 = arith.constant 0 : i32
    return %arg0, %c0_i32 : i32, i32
  }
  func.func @transform_1(%arg0: i32) -> (i32, i32) {
    %c0_i32 = arith.constant 0 : i32
    %c0_i32_0 = arith.constant 0 : i32
    return %arg0, %c0_i32 : i32, i32
  }
  func.func @transform_2(%arg0: i32) -> (i32, i32) {
    %c0_i32 = arith.constant 0 : i32
    %c0_i32_0 = arith.constant 0 : i32
    return %arg0, %c0_i32 : i32, i32
  }
  func.func @transform_3(%arg0: i32) -> (i32, i32) {
    %c0_i32 = arith.constant 0 : i32
    %c0_i32_0 = arith.constant 0 : i32
    return %arg0, %c0_i32 : i32, i32
  }
  func.func @transform_4(%arg0: i32) -> (i32, i32) {
    %c0_i32 = arith.constant 0 : i32
    %c0_i32_0 = arith.constant 0 : i32
    return %arg0, %c0_i32 : i32, i32
  }
  func.func @transform_5(%arg0: i32) -> (i32, i32) {
    %c0_i32 = arith.constant 0 : i32
    %c0_i32_0 = arith.constant 0 : i32
    return %arg0, %c0_i32 : i32, i32
  }
  func.func @transform_6(%arg0: i32) -> (i32, i32) {
    %c0_i32 = arith.constant 0 : i32
    %c0_i32_0 = arith.constant 0 : i32
    return %arg0, %c0_i32 : i32, i32
  }
}

module attributes {stable_mosaic.version = 14 : i64} {
  func.func @_ew_body(%arg0: i32, %arg1: memref<1000x128xf32, #tpu.memory_space<vmem>>, %arg2: memref<1000x128xf32, #tpu.memory_space<vmem>>, %arg3: memref<1000x128xf32, #tpu.memory_space<vmem>>, %arg4: memref<1000x1xf32, #tpu.memory_space<vmem>>, %arg5: memref<1000x1xf32, #tpu.memory_space<vmem>>, %arg6: memref<1000x128xf32, #tpu.memory_space<vmem>>, %arg7: memref<1000x128xf32, #tpu.memory_space<vmem>>) attributes {dimension_semantics = [#tpu.dimension_semantics<arbitrary>], iteration_bounds = array<i64: 10>, scalar_prefetch = 0 : i64, scratch_operands = 0 : i64, tpu.core_type = #tpu.core_type<tc>, window_params = [{transform_indices = @transform_0, window_bounds = array<i64: 1000, 128>}, {transform_indices = @transform_1, window_bounds = array<i64: 1000, 128>}, {transform_indices = @transform_2, window_bounds = array<i64: 1000, 128>}, {transform_indices = @transform_3, window_bounds = array<i64: 1000, 1>}, {transform_indices = @transform_4, window_bounds = array<i64: 1000, 1>}, {transform_indices = @transform_5, window_bounds = array<i64: 1000, 128>}, {transform_indices = @transform_6, window_bounds = array<i64: 1000, 128>}]} {
    %get3A = arith.constant 0 : index
    %get3A_0 = arith.constant 0 : index
    %get3A_1 = vector.load %arg1[%get3A, %get3A_0] : memref<1000x128xf32, #tpu.memory_space<vmem>>, vector<1000x128xf32>
    %get3A_2 = arith.constant 0 : index
    %get3A_3 = arith.constant 0 : index
    %get3A_4 = vector.load %arg2[%get3A_2, %get3A_3] : memref<1000x128xf32, #tpu.memory_space<vmem>>, vector<1000x128xf32>
    %add3A = arith.addf %get3A_1, %get3A_4 : vector<1000x128xf32>
    %get3A_5 = arith.constant 0 : index
    %get3A_6 = arith.constant 0 : index
    %get3A_7 = vector.load %arg3[%get3A_5, %get3A_6] : memref<1000x128xf32, #tpu.memory_space<vmem>>, vector<1000x128xf32>
    %get3A_8 = arith.constant 0 : index
    %get3A_9 = arith.constant 0 : index
    %get3A_10 = vector.load %arg4[%get3A_8, %get3A_9] : memref<1000x1xf32, #tpu.memory_space<vmem>>, vector<1000x1xf32>
    %mul3A = vector.broadcast %get3A_10 : vector<1000x1xf32> to vector<1000x128xf32>
    %mul3A_11 = arith.mulf %mul3A, %add3A : vector<1000x128xf32>
    %add3A_12 = arith.addf %get3A_7, %mul3A_11 : vector<1000x128xf32>
    %swap3A = arith.constant 0 : index
    %swap3A_13 = arith.constant 0 : index
    %swap3A_14 = vector.load %arg6[%swap3A, %swap3A_13] : memref<1000x128xf32, #tpu.memory_space<vmem>>, vector<1000x128xf32>
    tpu.vector_store %arg6[%swap3A, %swap3A_13], %add3A_12 {strides = array<i32>} : memref<1000x128xf32, #tpu.memory_space<vmem>>, vector<1000x128xf32>,
    %get3A_15 = arith.constant 0 : index
    %get3A_16 = arith.constant 0 : index
    %get3A_17 = vector.load %arg5[%get3A_15, %get3A_16] : memref<1000x1xf32, #tpu.memory_space<vmem>>, vector<1000x1xf32>
    %mul3A_18 = vector.broadcast %get3A_17 : vector<1000x1xf32> to vector<1000x128xf32>
    %mul3A_19 = arith.mulf %mul3A_18, %add3A : vector<1000x128xf32>
    %swap3A_20 = arith.constant 0 : index
    %swap3A_21 = arith.constant 0 : index
    %swap3A_22 = vector.load %arg7[%swap3A_20, %swap3A_21] : memref<1000x128xf32, #tpu.memory_space<vmem>>, vector<1000x128xf32>
    tpu.vector_store %arg7[%swap3A_20, %swap3A_21], %mul3A_19 {strides = array<i32>} : memref<1000x128xf32, #tpu.memory_space<vmem>>, vector<1000x128xf32>,
    return
  }
  func.func @transform_0(%arg0: i32) -> (i32, i32) {
    %c0_i32 = arith.constant 0 : i32
    %c0_i32_0 = arith.constant 0 : i32
    return %arg0, %c0_i32 : i32, i32
  }
  func.func @transform_1(%arg0: i32) -> (i32, i32) {
    %c0_i32 = arith.constant 0 : i32
    %c0_i32_0 = arith.constant 0 : i32
    return %arg0, %c0_i32 : i32, i32
  }
  func.func @transform_2(%arg0: i32) -> (i32, i32) {
    %c0_i32 = arith.constant 0 : i32
    %c0_i32_0 = arith.constant 0 : i32
    return %arg0, %c0_i32 : i32, i32
  }
  func.func @transform_3(%arg0: i32) -> (i32, i32) {
    %c0_i32 = arith.constant 0 : i32
    %c0_i32_0 = arith.constant 0 : i32
    return %arg0, %c0_i32 : i32, i32
  }
  func.func @transform_4(%arg0: i32) -> (i32, i32) {
    %c0_i32 = arith.constant 0 : i32
    %c0_i32_0 = arith.constant 0 : i32
    return %arg0, %c0_i32 : i32, i32
  }
  func.func @transform_5(%arg0: i32) -> (i32, i32) {
    %c0_i32 = arith.constant 0 : i32
    %c0_i32_0 = arith.constant 0 : i32
    return %arg0, %c0_i32 : i32, i32
  }
  func.func @transform_6(%arg0: i32) -> (i32, i32) {
    %c0_i32 = arith.constant 0 : i32
    %c0_i32_0 = arith.constant 0 : i32
    return %arg0, %c0_i32 : i32, i32
  }
}

module attributes {stable_mosaic.version = 14 : i64} {
  func.func @_ew_last_body(%arg0: i32, %arg1: memref<1000x128xf32, #tpu.memory_space<vmem>>, %arg2: memref<1000x128xf32, #tpu.memory_space<vmem>>, %arg3: memref<1000x128xf32, #tpu.memory_space<vmem>>, %arg4: memref<1000x1xf32, #tpu.memory_space<vmem>>, %arg5: memref<1000x128xf32, #tpu.memory_space<vmem>>) attributes {dimension_semantics = [#tpu.dimension_semantics<arbitrary>], iteration_bounds = array<i64: 10>, scalar_prefetch = 0 : i64, scratch_operands = 0 : i64, tpu.core_type = #tpu.core_type<tc>, window_params = [{transform_indices = @transform_0, window_bounds = array<i64: 1000, 128>}, {transform_indices = @transform_1, window_bounds = array<i64: 1000, 128>}, {transform_indices = @transform_2, window_bounds = array<i64: 1000, 128>}, {transform_indices = @transform_3, window_bounds = array<i64: 1000, 1>}, {transform_indices = @transform_4, window_bounds = array<i64: 1000, 128>}]} {
    %get3A = arith.constant 0 : index
    %get3A_0 = arith.constant 0 : index
    %get3A_1 = vector.load %arg3[%get3A, %get3A_0] : memref<1000x128xf32, #tpu.memory_space<vmem>>, vector<1000x128xf32>
    %get3A_2 = arith.constant 0 : index
    %get3A_3 = arith.constant 0 : index
    %get3A_4 = vector.load %arg4[%get3A_2, %get3A_3] : memref<1000x1xf32, #tpu.memory_space<vmem>>, vector<1000x1xf32>
    %get3A_5 = arith.constant 0 : index
    %get3A_6 = arith.constant 0 : index
    %get3A_7 = vector.load %arg1[%get3A_5, %get3A_6] : memref<1000x128xf32, #tpu.memory_space<vmem>>, vector<1000x128xf32>
    %get3A_8 = arith.constant 0 : index
    %get3A_9 = arith.constant 0 : index
    %get3A_10 = vector.load %arg2[%get3A_8, %get3A_9] : memref<1000x128xf32, #tpu.memory_space<vmem>>, vector<1000x128xf32>
    %add3A = arith.addf %get3A_7, %get3A_10 : vector<1000x128xf32>
    %mul3A = vector.broadcast %get3A_4 : vector<1000x1xf32> to vector<1000x128xf32>
    %mul3A_11 = arith.mulf %mul3A, %add3A : vector<1000x128xf32>
    %add3A_12 = arith.addf %get3A_1, %mul3A_11 : vector<1000x128xf32>
    %swap3A = arith.constant 0 : index
    %swap3A_13 = arith.constant 0 : index
    %swap3A_14 = vector.load %arg5[%swap3A, %swap3A_13] : memref<1000x128xf32, #tpu.memory_space<vmem>>, vector<1000x128xf32>
    tpu.vector_store %arg5[%swap3A, %swap3A_13], %add3A_12 {strides = array<i32>} : memref<1000x128xf32, #tpu.memory_space<vmem>>, vector<1000x128xf32>,
    return
  }
  func.func @transform_0(%arg0: i32) -> (i32, i32) {
    %c0_i32 = arith.constant 0 : i32
    %c0_i32_0 = arith.constant 0 : i32
    return %arg0, %c0_i32 : i32, i32
  }
  func.func @transform_1(%arg0: i32) -> (i32, i32) {
    %c0_i32 = arith.constant 0 : i32
    %c0_i32_0 = arith.constant 0 : i32
    return %arg0, %c0_i32 : i32, i32
  }
  func.func @transform_2(%arg0: i32) -> (i32, i32) {
    %c0_i32 = arith.constant 0 : i32
    %c0_i32_0 = arith.constant 0 : i32
    return %arg0, %c0_i32 : i32, i32
  }
  func.func @transform_3(%arg0: i32) -> (i32, i32) {
    %c0_i32 = arith.constant 0 : i32
    %c0_i32_0 = arith.constant 0 : i32
    return %arg0, %c0_i32 : i32, i32
  }
  func.func @transform_4(%arg0: i32) -> (i32, i32) {
    %c0_i32 = arith.constant 0 : i32
    %c0_i32_0 = arith.constant 0 : i32
    return %arg0, %c0_i32 : i32, i32
  }
}

</mosaic_0001>

<sc_bundles>
// kernel: kernel.11.cloned.1.call-start
scs
__scs_entry_jumppad:
0x0: {  	(pc) =	sbr.rel $0x88, $3  }
0x1: {  	(tag) =	ssettag $0x0;
	lr =	simm.s32 $0x1  }
0x2: {  	[smem:$0x3F9E] =	sst lr;
	_ =	strace $0xD0000000  }
0x3: {  	_ = 	snop  }
0x4: {  	_ = 	snop  }
0x5: {  	_ = 	snop  }
0x6: {  	_ = 	snop  }
0x7: {  	_ = 	snop  }
__scs_overlays_trampoline_lowered:
0x8: {  	[smem:$0x3FAD] =	sst s0  }
0x9: {  	[smem:$0x3FAE] =	sst s1  }
0xa: {  	[smem:$0x3FAF] =	sst s2  }
0xb: {  	[smem:$0x3FB0] =	sst s3  }
0xc: {  	[smem:$0x3FB1] =	sst s4  }
0xd: {  	[smem:$0x3FB2] =	sst s5  }
0xe: {  	[smem:$0x3FB3] =	sst s6  }
0xf: {  	[smem:$0x3FB4] =	sst s7  }
0x10: {  	[smem:$0x3FB5] =	sst s8  }
0x11: {  	[smem:$0x3FB6] =	sst s9;
	s0 =	simm.s32 @!p0 $0x0  }
0x12: {  	s1 =	sld [smem:$0x3F9C];
	s0 =	simm.s32 @p0 $0x1  }
0x13: {  	[smem:$0x3FB7] =	sst s0;
	s0 =	simm.s32 @!p1 $0x0  }
0x14: {  	s2 =	sld [smem:$0x3F9B];
	s0 =	simm.s32 @p1 $0x1  }
0x15: {  	[smem:$0x3FB8] =	sst s0;
	s0 =	simm.s32 @!p2 $0x0  }
0x16: {  	s3 =	sld [smem:$0x3FDB];
	s0 =	simm.s32 @p2 $0x1  }
0x17: {  	s4 =	simm.s32 $0x1BF5;
	[smem:$0x3FBA] =	sst s0  }
0x18: {  	s0 =	sld [smem:$0x3F9D];
	_ =	swait.ge [sflag:s4], $0x0  }
0x19: {  	s7 =	sld [smem:$0x3F9E]  }
0x1a: {  	s8 =	sadd.s32 $0xFFFFE003, lr  }
0x1b: {  	s9 =	sadd.s32 $0xFFFFFEF7, lr;
	s5 =	simm.s32 $0xFFFFFFFF;
	p2 =	slt.u32 s8, $0xFFFFF086  }
0x1c: {  	p1 =	slt.u32 s9, $0xF7A;
	s5 =	simm.s32 @!p2 $0x0  }
0x1d: {  	s5 =	simm.s32 @p1 $0x1;
	p0 =	seq.s32 s7, s2  }
0x1e: {  	s7 =	smul.u32 @!p0 $0xF7A, s2;
	p2 =	seq.s32 @!p0 s5, $0x0  }
0x1f: {  	s9 =	smul.u32 $0xF7A, s1;
	s8 =	simm.s32 @!p0 $0x1BF5;
	p2 =	por !p2, p0  }
0x20: {  	[sflag:s8] =	ssyncset.s32 @!p0 $0xFFFFF086;
	s6 =	sadd.s32 @!p0 s3, s7;
	s7 =	simm.s32 @!p0 $0x108  }
0x21: {  	s3 =	sadd.s32 s3, s9;
	s6 =	sadd.s32 @!p0 $0x88, s6;
	s7 =	simm.s32 @p2 $0x1082  }
0x22: {  	[simem:s7], [sflag:s8] =	dma.local @!p0 [hbm:s6], $0xF7A  }
0x23: {  	s9 =	sor.u32 $0xD0000000, s2;
	s6 =	simm.s32 $0x108;
	_ =	swait.ge @!p0 [sflag:s8], $0x0  }
0x24: {  	s3 =	sadd.s32 $0x88, s3;
	s6 =	simm.s32 @!p1 $0x1082;
	[sflag:s4] =	ssyncset.s32 $0xFFFFF086  }
0x25: {  	[simem:s6], [sflag:s4] =	dma.local [hbm:s3], $0xF7A  }
0x26: {  	[smem:$0x3F9E] =	sst s1;
	(tag) =	ssettag s2;
	_ =	strace s9  }
0x27: {  	s1 =	sld [smem:$0x3FAE]  }
0x28: {  	s2 =	sld [smem:$0x3FAF]  }
0x29: {  	s4 =	sld [smem:$0x3FB1]  }
0x2a: {  	p0 =	seq.s32 s5, $0x0;
	s5 =	sld [smem:$0x3FB2]  }
0x2b: {  	s6 =	sld [smem:$0x3FB3]  }
0x2c: {  	s7 =	sld [smem:$0x3FB4]  }
0x2d: {  	s3 =	simm.s32 $0x108;
	s8 =	sld [smem:$0x3FB5]  }
0x2e: {  	s3 =	simm.s32 @!p0 $0x1082;
	s9 =	sld [smem:$0x3FB6]  }
0x2f: {  	lr =	sadd.s32 s0, s3;
	s0 =	sld [smem:$0x3FAD]  }
0x30: {  	s3 =	sld [smem:$0x3FB0]  }
0x31: {  	[smem:$0x3FB9] =	sst s10  }
0x32: {  	s10 =	sld [smem:$0x3FB7];
	_ =	sdelay $0x3  }
0x33: {  	p0 =	seq.s32 s10, $0x1;
	s10 =	sld [smem:$0x3FB9];
	_ =	sdelay $0x3  }
0x34: {  	[smem:$0x3FB9] =	sst s10  }
0x35: {  	s10 =	sld [smem:$0x3FB8];
	_ =	sdelay $0x3  }
0x36: {  	p1 =	seq.s32 s10, $0x1;
	s10 =	sld [smem:$0x3FB9];
	_ =	sdelay $0x3  }
0x37: {  	[smem:$0x3FB9] =	sst s10  }
0x38: {  	s10 =	sld [smem:$0x3FBA]  }
0x39: {  	_ = 	snop;
	(pc) =	sbr.ind lr, $3  }
0x3a: {  	_ = 	snop  }
0x3b: {  	_ = 	snop  }
0x3c: {  	p2 =	seq.s32 s10, $0x1;
	s10 =	sld [smem:$0x3FB9]  }
0x3d: {  	_ =	shalt  }
0x3e: {  	_ =	shalt  }
0x3f: {  	_ =	shalt  }
0x40: {  	_ =	shalt  }
0x41: {  	_ =	shalt  }
0x42: {  	_ =	shalt  }
0x43: {  	_ =	shalt  }
0x44: {  	_ =	shalt  }
0x45: {  	_ =	shalt  }
0x46: {  	_ =	shalt  }
0x47: {  	_ =	shalt  }
0x48: {  	_ =	shalt  }
0x49: {  	_ =	shalt  }
0x4a: {  	_ =	shalt  }
0x4b: {  	_ =	shalt  }
0x4c: {  	_ =	shalt  }
0x4d: {  	_ =	shalt  }
0x4e: {  	_ =	shalt  }
0x4f: {  	_ =	shalt  }
0x50: {  	_ =	shalt  }
0x51: {  	_ =	shalt  }
0x52: {  	_ =	shalt  }
0x53: {  	_ =	shalt  }
0x54: {  	_ =	shalt  }
0x55: {  	_ =	shalt  }
0x56: {  	_ =	shalt  }
0x57: {  	_ =	shalt  }
0x58: {  	_ =	shalt  }
0x59: {  	_ =	shalt  }
0x5a: {  	_ =	shalt  }
0x5b: {  	_ =	shalt  }
0x5c: {  	_ =	shalt  }
0x5d: {  	_ =	shalt  }
0x5e: {  	_ =	shalt  }
0x5f: {  	_ =	shalt  }
0x60: {  	_ =	shalt  }
0x61: {  	_ =	shalt  }
0x62: {  	_ =	shalt  }
0x63: {  	_ =	shalt  }
0x64: {  	_ =	shalt  }
0x65: {  	_ =	shalt  }
0x66: {  	_ =	shalt  }
0x67: {  	_ =	shalt  }
0x68: {  	_ =	shalt  }
0x69: {  	_ =	shalt  }
0x6a: {  	_ =	shalt  }
0x6b: {  	_ =	shalt  }
0x6c: {  	_ =	shalt  }
0x6d: {  	_ =	shalt  }
0x6e: {  	_ =	shalt  }
0x6f: {  	_ =	shalt  }
0x70: {  	_ =	shalt  }
0x71: {  	_ =	shalt  }
0x72: {  	_ =	shalt  }
0x73: {  	_ =	shalt  }
0x74: {  	_ =	shalt  }
0x75: {  	_ =	shalt  }
0x76: {  	_ =	shalt  }
0x77: {  	_ =	shalt  }
0x78: {  	_ =	shalt  }
0x79: {  	_ =	shalt  }
0x7a: {  	_ =	shalt  }
0x7b: {  	_ =	shalt  }
0x7c: {  	_ =	shalt  }
0x7d: {  	_ =	shalt  }
0x7e: {  	_ =	shalt  }
0x7f: {  	_ =	shalt  }
0x80: {  	_ =	shalt  }
0x81: {  	_ =	shalt  }
0x82: {  	_ =	shalt  }
0x83: {  	_ =	shalt  }
0x84: {  	_ =	shalt  }
0x85: {  	_ =	shalt  }
0x86: {  	_ =	shalt  }
0x87: {  	_ =	shalt  }
.Lfunc_end0:
.L_simem_size_0:
called_computation_lowered:
.L_overlay_start_0:
0x88: {  	s2 =	sld [smem:$0x3FD9]  }
0x89: {  	s3 =	sld [smem:$0x3FFE];
	_ =	sdelay $0x1  }
0x8a: {  	s1 =	srdreg.scid  }
0x8b: {  	s0 =	sand.u32 $0x1, s1  }
0x8c: {  	s14 =	sshll.u32 s0, $0xA;
	s2 =	sadd.s32 s3, s2  }
0x8d: {  	s2 =	sadd.s32 s2, s14  }
0x8e: {  	[smem:$0x3FC5] =	sst s2  }
0x8f: {  	_ = 	snop  }
0x90: {  	s2 =	sld [smem:$0x3FD0];
	_ =	sdelay $0x2  }
0x91: {  	s15 =	simm.s32 $0xA;
	s4 =	simm.s32 $0x10  }
0x92: {  	[smem:s4], [sflag:s15] =	dma.local [hbm:s2], $0x1  }
0x93: {  	_ =	swait.eq [sflag:s15], $0x1  }
0x94: {  	[sflag:s15] =	ssyncset.done $0x0  }
0x95: {  	[sflag:s15] =	ssyncadd.s32 $0xFFFFFFFF  }
0x96: {  	s16 =	sld [smem:$0x11];
	(tm) =	ssettm $0x1  }
0x97: {  	s17 =	sld [smem:$0x3FFB];
	_ =	sdelay $0x3  }
0x98: {  	_ =	strace s17  }
0x99: {  	s3 =	sld [smem:$0x3FFC];
	_ =	sdelay $0x3  }
0x9a: {  	_ =	strace s3  }
0x9b: {  	s3 =	sld [smem:$0x3FFD];
	_ =	sdelay $0x3  }
0x9c: {  	_ =	strace s3  }
0x9d: {  	_ =	strace $0x8FFFFFFF  }
0x9e: {  	s18 =	sld [smem:$0x3FDB];
	_ =	sdelay $0x1  }
0x9f: {  	s19 =	simm.s32 $_scs_section_size  }
0xa0: {  	s5 =	simm.s32 $_size__tile_overlayer_lowered;
	s6 =	simm.s32 $_tile_overlayer_lowered  }
0xa1: {  	s22 =	simm.s32 $0x1BFF;
	s21 =	sshll.u32 s6, $0x1;
	s3 =	sadd.s32 s19, s18  }
0xa2: {  	s7 =	simm.s32 $0x0;
	s20 =	sshll.u32 s5, $0x1;
	s5 =	sadd.s32 s21, s3  }
0xa3: {  	[timem:s7], [sflag:s22] =	dma.local [hbm:s5], s20  }
0xa4: {  	_ =	swait.ge [sflag:s22], s20  }
0xa5: {  	s4 =	ssub.s32 $0x0, s20;
	[sflag:s22] =	ssyncset.done $0x0  }
0xa6: {  	[sflag:s22] =	ssyncadd.s32 s4;
	_ =	sdelay $0x1  }
0xa7: {  	s23 =	simm.s32 $0x1B8B  }
0xa8: {  	_ =	swait.ge [sflag:s23], $0x1  }
0xa9: {  	[sflag:s23] =	ssyncset.done $0x0  }
0xaa: {  	s25 =	simm.s32 $0x1B8E;
	s24 =	sld [smem:$0x3FFE];
	[sflag:s23] =	ssyncadd.s32 $0xFFFFFFFF  }
0xab: {  	s26 =	simm.s32 $execute0_lowered;
	[smem:$0x3FD2] =	sst s25  }
0xac: {  	s5 =	sshll.u32 s26, $0x1;
	_ =	strace $0x80000046;
	[dreg:$0x1] =	wrdreg $0xFFFFFFFF  }
0xad: {  	s28 =	simm.s32 $_size_execute0_lowered;
	s3 =	sadd.s32 s3, s5;
	[dreg:$0x0] =	wrdreg $0x0  }
0xae: {  	s5 =	sshll.u32 s28, $0x1;
	[dreg:$0x2] =	wrdreg s3  }
0xaf: {  	[dreg:$0x3] =	wrdreg s5  }
0xb0: {  	[dreg:$0x4] =	wrdreg $0xC0  }
0xb1: {  	_ =	task [dreg:s7], $0x5FFFF  }
0xb2: {  	[dreg:$0x1] =	wrdreg $0xFFFFFFFF  }
0xb3: {  	[dreg:$0x0] =	wrdreg $0x60  }
0xb4: {  	[dreg:$0x2] =	wrdreg s16  }
0xb5: {  	[dreg:$0x3] =	wrdreg s24  }
0xb6: {  	[dreg:$0x4] =	wrdreg $0x0  }
0xb7: {  	[dreg:$0x5] =	wrdreg $0x2800  }
0xb8: {  	[dreg:$0x6] =	wrdreg $0x9  }
0xb9: {  	_ =	task.clear_ibuf [dreg:s7], $0x7FFFF;
	_ =	strace $0x90000046  }
0xba: {  	s29 =	simm.s32 $0x9;
	_ =	strace $0x80000048  }
0xbb: {  	_ =	swait.ge [sflag:s29], $0x1  }
0xbc: {  	[sflag:s29] =	ssyncadd.s32 $0xFFFFFFFF  }
0xbd: {  	_ =	strace $0x90000048  }
0xbe: {  	_ =	sfence  }
0xbf: {  	s30 =	sld [smem:$0x0];
	_ =	sdelay $0x2  }
0xc0: {  	s31 =	sshll.u32 s1, $0xD;
	s1 =	sshrl.u32 s1, $0x2  }
0xc1: {  	s3 =	sand.u32 $0x4000, s31;
	s1 =	sadd.s32 s1, s30  }
0xc2: {  	s0 =	sor.u32 s3, s0;
	s1 =	sshll.u32 s1, $0x11  }
0xc3: {  	s0 =	sor.u32 s1, s0  }
0xc4: {  	s0 =	sadd.s32 $0x8F2B, s0  }
0xc5: {  	[sflag:s0] =	ssyncadd.remote.s32 $0x1  }
0xc6: {  	_ =	sfence.sel $0xFFFF  }
0xc7: {  	[dreg:$0x0] =	wrdreg $0xFFFFFFFF;
	(pc) =	sbr.abs _section_cstart, $3  }
0xc8: {  	[dreg:$0x1] =	wrdreg $0xFFFFFFFF  }
0xc9: {  	_ =	task.clear_ibuf [dreg:s7], $0x2FFFF;
	_ =	strace $0x9FFFFFFF  }
0xca: {  	(tm) =	ssettm $0x7FFFFFFF  }
0xcb: {  	_ =	shalt  }
tec
execute0_lowered:
.L_overlay_start_1:
0x0: {  	(tag) =	ssettag $0x1  }
0x1: {  	s7 =	rddreg [dreg:$0x0]  }
0x2: {  	s5 =	rddreg [dreg:$0x1]  }
0x3: {  	s2 =	rddreg [dreg:$0x2]  }
0x4: {  	s3 =	rddreg [dreg:$0x3]  }
0x5: {  	s0 =	rddreg [dreg:$0x4];
	s6 =	srdreg.scid  }
0x6: {  	s1 =	stileid.u32;
	s4 =	simm.s32 $0x0;
	s16 =	simm.s32 $0x4500  }
0x7: {  	s17 =	simm.s32 $0x50;
	s18 =	simm.s32 $0x8500;
	s19 =	simm.s32 $0x1  }
0x8: {  	s20 =	simm.s32 $0x2;
	s21 =	simm.s32 $0x0;
	s6 =	sand.u32 $0x1, s6  }
0x9: {  	s8 =	smul.u32 $0x280, s1;
	s10 =	sshll.u32 s1, $0xB;
	[smem:$0x7FF] =	sst s4  }
0xa: {  	s31 =	sshll.u32 s1, $0x6;
	s9 =	sshll.u32 s6, $0xF;
	s11 =	smul.u32 $0x5000, s6  }
0xb: {  	_ =	strace $0x80000047;
	s6 =	ssub.s32 $0x2, s6;
	s9 =	sor.u32 s10, s9  }
0xc: {  	s12 =	sshrl.u32 s8, $0x3;
	s30 =	sshrl.u32 s6, $0x1;
	s14 =	sadd.s32 s8, s2  }
0xd: {  	s15 =	sadd.s32 s8, s3;
	s10 =	sadd.s32 s9, s5;
	s11 =	sadd.s32 s8, s11  }
0xe: {  	s12 =	sadd.s32 s12, s5;
	s13 =	ssub.s32 s6, s30;
	s6 =	sor.u32 $0x1C03, s31  }
0xf: {  	s7 =	sadd.s32 s7, s9;
	s11 =	sshrl.u32 s11, $0x3;
	s8 =	sadd.s32 $0x2600, s10  }
0x10: {  	s11 =	sadd.s32 s11, s5;
	s5 =	sadd.s32 $0x12600, s12;
	s12 =	sshrl.u32 s14, $0x3  }
0x11: {  	s14 =	sshrl.u32 s15, $0x3;
	s15 =	simm.s32 $0x500;
	s9 =	sadd.s32 $0x12C00, s11  }
0x12: {  	v0 =	vimm.f32 $1.000000000e+00;
	s10 =	sadd.s32 $0x13100, s11;
	s11 =	smax.u32 s13, $0x1;
	s13 =	simm.s32 $0x3  }
.LBB2_1:
0x13: {  	[tilespmem:$0x8500] =	vst v0  }
0x14: {  	[tilespmem:$0x8510] =	vst v0  }
0x15: {  	[tilespmem:$0x8520] =	vst v0  }
0x16: {  	[tilespmem:$0x8530] =	vst v0  }
0x17: {  	[tilespmem:$0x8540] =	vst v0  }
0x18: {  	[spmem:s12], [sflag:s6] =	dma.local [hbm:s5], $0x50  }
0x19: {  	_ =	swait.ge [sflag:s13], $0x50  }
0x1a: {  	[sflag:s13] =	ssyncset.done $0x0  }
0x1b: {  	[sflag:s13] =	ssyncadd.s32 $0xFFFFFFB0  }
0x1c: {  	[spmem:s14], [sflag:s6] =	dma.local [hbm:s5], $0x50  }
0x1d: {  	_ =	swait.ge [sflag:s13], $0x50  }
0x1e: {  	[sflag:s13] =	ssyncset.done $0x0  }
0x1f: {  	[sflag:s13] =	ssyncadd.s32 $0xFFFFFFB0  }
0x20: {  	[tilespmem:s15], [sflag:$0x3] =	stream.linear.gather [hbm4b:s7+s4], $0x3E80, $0x38;
	[tilespmem:$0x8580] =	vst v63  }
0x21: {  	_ =	swait.ge [sflag:s13], $0x3E80  }
0x22: {  	[sflag:s13] =	ssyncset.done $0x0  }
0x23: {  	[sflag:s13] =	ssyncadd.s32 $0xFFFFC180  }
0x24: {  	[tilespmem:s16], [sflag:$0x3] =	stream.linear.gather [hbm4b:s8+s4], $0x3E80, $0x38;
	[tilespmem:$0x8580] =	vst v63  }
0x25: {  	_ =	swait.ge [sflag:s13], $0x3E80  }
0x26: {  	[sflag:s13] =	ssyncset.done $0x0  }
0x27: {  	[sflag:s13] =	ssyncadd.s32 $0xFFFFC180  }
0x28: {  	[bflag:$0x0] =	sbarrier.arrive $0xFFFF  }
0x29: {  	[spmem:s2] =	stream.indirect.scatter.add.f32 [tilespmem:s18], [sflag:$0x1], $0x1, s16, s17, $0xb8;
	[tilespmem:$0x8580] =	vst v63  }
0x2a: {  	_ = 	snop  }
0x2b: {  	[spmem:s3] =	stream.indirect.scatter.add.f32 [tilespmem:s18], [sflag:$0x2], $0x1, s15, s17, $0xb8;
	[tilespmem:$0x8580] =	vst v63  }
0x2c: {  	s22 =	simm.s32 $0x4580  }
0x2d: {  	[spmem:s2] =	stream.indirect.scatter.add.f32 [tilespmem:s18], [sflag:$0x1], $0x1, s22, s17, $0xb8;
	[tilespmem:$0x8580] =	vst v63  }
0x2e: {  	s31 =	simm.s32 $0x580  }
0x2f: {  	[spmem:s3] =	stream.indirect.scatter.add.f32 [tilespmem:s18], [sflag:$0x2], $0x1, s31, s17, $0xb8;
	[tilespmem:$0x8580] =	vst v63  }
0x30: {  	_ =	swait.ge [sflag:s19], $0x50  }
0x31: {  	[sflag:s19] =	ssyncset.done $0x0  }
0x32: {  	[sflag:s19] =	ssyncadd.s32 $0xFFFFFFB0  }
0x33: {  	_ =	swait.ge [sflag:s20], $0x50  }
0x34: {  	s23 =	simm.s32 $0x600;
	s22 =	simm.s32 $0x100;
	[sflag:s20] =	ssyncset.done $0x0  }
.LBB2_2:
0x35: {  	s24 =	sadd.s32 $0x4500, s22  }
0x36: {  	[sflag:s20] =	ssyncadd.s32 $0xFFFFFFB0;
	s25 =	smov.u32 s23;
	s26 =	sadd.s32 $0x200, s23  }
0x37: {  	[spmem:s2] =	stream.indirect.scatter.add.f32 [tilespmem:s18], [sflag:$0x1], $0x1, s24, s17, $0xb8;
	[tilespmem:$0x8580] =	vst v63  }
0x38: {  	p0 =	sne.s32 s23, $0xF800;
	s22 =	sadd.s32 $0x500, s22  }
0x39: {  	[spmem:s3] =	stream.indirect.scatter.add.f32 [tilespmem:s18], [sflag:$0x2], $0x1, s22, s17, $0xb8;
	[tilespmem:$0x8580] =	vst v63  }
.Ltmp0:
0x3a: {  	_ =	swait.ge [sflag:s19], $0x50;
	(pc) =	sbr.rel @p0 .LBB2_2-.Ltmp0, $4  }
0x3b: {  	[sflag:s19] =	ssyncset.done $0x0  }
0x3c: {  	[sflag:s19] =	ssyncadd.s32 $0xFFFFFFB0  }
0x3d: {  	_ =	swait.ge [sflag:s20], $0x50  }
0x3e: {  	s23 =	smov.u32 s26;
	s22 =	sshra.s32 s25, $0x2;
	[sflag:s20] =	ssyncset.done $0x0  }
0x3f: {  	s23 =	sadd.s32 $0x4500, s22;
	[sflag:s20] =	ssyncadd.s32 $0xFFFFFFB0  }
0x40: {  	[spmem:s2] =	stream.indirect.scatter.add.f32 [tilespmem:s18], [sflag:$0x1], $0x1, s23, s17, $0xb8;
	[tilespmem:$0x8580] =	vst v63  }
0x41: {  	s31 =	sadd.s32 $0x500, s22  }
0x42: {  	[spmem:s3] =	stream.indirect.scatter.add.f32 [tilespmem:s18], [sflag:$0x2], $0x1, s31, s17, $0xb8;
	[tilespmem:$0x8580] =	vst v63  }
0x43: {  	_ =	swait.ge [sflag:s19], $0x50  }
0x44: {  	[sflag:s19] =	ssyncset.done $0x0  }
0x45: {  	[sflag:s19] =	ssyncadd.s32 $0xFFFFFFB0  }
0x46: {  	_ =	swait.ge [sflag:s20], $0x50  }
0x47: {  	[sflag:s20] =	ssyncset.done $0x0  }
0x48: {  	[sflag:s20] =	ssyncadd.s32 $0xFFFFFFB0  }
0x49: {  	_ =	swait.ge [sflag:s19], $0x50  }
0x4a: {  	[sflag:s19] =	ssyncset.done $0x0  }
0x4b: {  	[sflag:s19] =	ssyncadd.s32 $0xFFFFFFB0  }
0x4c: {  	_ =	swait.ge [sflag:s20], $0x50  }
0x4d: {  	[sflag:s20] =	ssyncset.done $0x0  }
0x4e: {  	[sflag:s20] =	ssyncadd.s32 $0xFFFFFFB0  }
0x4f: {  	[bflag:$0x0] =	sbarrier.arrive $0xFFFF  }
0x50: {  	[hbm:s9], [sflag:s6] =	dma.local [spmem:s12], $0x50  }
0x51: {  	s21 =	sadd.s32 $0x1, s21;
	_ =	swait.ge [sflag:s13], $0x50  }
0x52: {  	p0 =	sne.s32 s21, s11;
	[sflag:s13] =	ssyncset.done $0x0  }
.Ltmp1:
0x53: {  	[sflag:s13] =	ssyncadd.s32 $0xFFFFFFB0;
	(pc) =	sbr.rel @p0 .LBB2_1-.Ltmp1, $4  }
0x54: {  	[hbm:s10], [sflag:s6] =	dma.local [spmem:s14], $0x50  }
0x55: {  	_ =	swait.ge [sflag:s13], $0x50  }
0x56: {  	[sflag:s13] =	ssyncset.done $0x0  }
0x57: {  	[sflag:s13] =	ssyncadd.s32 $0xFFFFFFB0  }
0x58: {  	_ =	sfence.sel $0x180000  }
0x59: {  	[bflag:$0x0] =	sbarrier.arrive $0xFFFF  }
0x5a: {  	p0 =	sne.s32 s1, $0x0;
	_ =	strace $0x90000047  }
0x5b: {  	s0 =	sadd.s32 @!p0 $0x100000, s0;
	[bflag:$0x2] =	sbarrier.arrive $0xFFFF  }
0x5c: {  	[sflag:s0] =	ssyncadd.tile.s32 @!p0 $0x1;
	_ =	shalt  }
.Lfunc_end2:
_tile_overlayer_lowered:
.L_overlay_start_2:
0x5d: {  	(tag) =	ssettag $0x2  }
0x5e: {  	s0 =	rddreg [dreg:$0x0];
	s2 =	stileid.u32  }
0x5f: {  	s1 =	rddreg [dreg:$0x1];
	p0 =	sne.s32 s2, $0x0  }
0x60: {  	s3 =	rddreg [dreg:$0x2];
	[bflag:$0x3] =	sbarrier.arrive $0xFFFF;
	s2 =	simm.s32 @!p0 $0x1C03  }
0x61: {  	[timem:s3], [sflag:s2] =	dma.local @!p0 [hbm:s0], s1  }
0x62: {  	s0 =	simm.s32 @!p0 $0x3  }
0x63: {  	_ =	swait.ge @!p0 [sflag:s0], s1  }
0x64: {  	s1 =	ssub.s32 @!p0 $0x0, s1;
	[sflag:s0] =	ssyncset.done @!p0 $0x0  }
0x65: {  	[sflag:s0] =	ssyncadd.s32 @!p0 s1  }
0x66: {  	[bflag:$0x3] =	sbarrier.arrive $0xFFFF  }
0x67: {  	_ =	shalt  }

// kernel: kernel.14.cloned.1.call-start
scs
__scs_entry_jumppad:
0x0: {  	(pc) =	sbr.rel $0x88, $3  }
0x1: {  	(tag) =	ssettag $0x0;
	lr =	simm.s32 $0x1  }
0x2: {  	[smem:$0x3F9E] =	sst lr;
	_ =	strace $0xD0000000  }
0x3: {  	_ = 	snop  }
0x4: {  	_ = 	snop  }
0x5: {  	_ = 	snop  }
0x6: {  	_ = 	snop  }
0x7: {  	_ = 	snop  }
__scs_overlays_trampoline_lowered:
0x8: {  	[smem:$0x3FAD] =	sst s0  }
0x9: {  	[smem:$0x3FAE] =	sst s1  }
0xa: {  	[smem:$0x3FAF] =	sst s2  }
0xb: {  	[smem:$0x3FB0] =	sst s3  }
0xc: {  	[smem:$0x3FB1] =	sst s4  }
0xd: {  	[smem:$0x3FB2] =	sst s5  }
0xe: {  	[smem:$0x3FB3] =	sst s6  }
0xf: {  	[smem:$0x3FB4] =	sst s7  }
0x10: {  	[smem:$0x3FB5] =	sst s8  }
0x11: {  	[smem:$0x3FB6] =	sst s9;
	s0 =	simm.s32 @!p0 $0x0  }
0x12: {  	s1 =	sld [smem:$0x3F9C];
	s0 =	simm.s32 @p0 $0x1  }
0x13: {  	[smem:$0x3FB7] =	sst s0;
	s0 =	simm.s32 @!p1 $0x0  }
0x14: {  	s2 =	sld [smem:$0x3F9B];
	s0 =	simm.s32 @p1 $0x1  }
0x15: {  	[smem:$0x3FB8] =	sst s0;
	s0 =	simm.s32 @!p2 $0x0  }
0x16: {  	s3 =	sld [smem:$0x3FDB];
	s0 =	simm.s32 @p2 $0x1  }
0x17: {  	s4 =	simm.s32 $0x1BF5;
	[smem:$0x3FBA] =	sst s0  }
0x18: {  	s0 =	sld [smem:$0x3F9D];
	_ =	swait.ge [sflag:s4], $0x0  }
0x19: {  	s7 =	sld [smem:$0x3F9E]  }
0x1a: {  	s8 =	sadd.s32 $0xFFFFE003, lr  }
0x1b: {  	s9 =	sadd.s32 $0xFFFFFEF7, lr;
	s5 =	simm.s32 $0xFFFFFFFF;
	p2 =	slt.u32 s8, $0xFFFFF086  }
0x1c: {  	p1 =	slt.u32 s9, $0xF7A;
	s5 =	simm.s32 @!p2 $0x0  }
0x1d: {  	s5 =	simm.s32 @p1 $0x1;
	p0 =	seq.s32 s7, s2  }
0x1e: {  	s7 =	smul.u32 @!p0 $0xF7A, s2;
	p2 =	seq.s32 @!p0 s5, $0x0  }
0x1f: {  	s9 =	smul.u32 $0xF7A, s1;
	s8 =	simm.s32 @!p0 $0x1BF5;
	p2 =	por !p2, p0  }
0x20: {  	[sflag:s8] =	ssyncset.s32 @!p0 $0xFFFFF086;
	s6 =	sadd.s32 @!p0 s3, s7;
	s7 =	simm.s32 @!p0 $0x108  }
0x21: {  	s3 =	sadd.s32 s3, s9;
	s6 =	sadd.s32 @!p0 $0x88, s6;
	s7 =	simm.s32 @p2 $0x1082  }
0x22: {  	[simem:s7], [sflag:s8] =	dma.local @!p0 [hbm:s6], $0xF7A  }
0x23: {  	s9 =	sor.u32 $0xD0000000, s2;
	s6 =	simm.s32 $0x108;
	_ =	swait.ge @!p0 [sflag:s8], $0x0  }
0x24: {  	s3 =	sadd.s32 $0x88, s3;
	s6 =	simm.s32 @!p1 $0x1082;
	[sflag:s4] =	ssyncset.s32 $0xFFFFF086  }
0x25: {  	[simem:s6], [sflag:s4] =	dma.local [hbm:s3], $0xF7A  }
0x26: {  	[smem:$0x3F9E] =	sst s1;
	(tag) =	ssettag s2;
	_ =	strace s9  }
0x27: {  	s1 =	sld [smem:$0x3FAE]  }
0x28: {  	s2 =	sld [smem:$0x3FAF]  }
0x29: {  	s4 =	sld [smem:$0x3FB1]  }
0x2a: {  	p0 =	seq.s32 s5, $0x0;
	s5 =	sld [smem:$0x3FB2]  }
0x2b: {  	s6 =	sld [smem:$0x3FB3]  }
0x2c: {  	s7 =	sld [smem:$0x3FB4]  }
0x2d: {  	s3 =	simm.s32 $0x108;
	s8 =	sld [smem:$0x3FB5]  }
0x2e: {  	s3 =	simm.s32 @!p0 $0x1082;
	s9 =	sld [smem:$0x3FB6]  }
0x2f: {  	lr =	sadd.s32 s0, s3;
	s0 =	sld [smem:$0x3FAD]  }
0x30: {  	s3 =	sld [smem:$0x3FB0]  }
0x31: {  	[smem:$0x3FB9] =	sst s10  }
0x32: {  	s10 =	sld [smem:$0x3FB7];
	_ =	sdelay $0x3  }
0x33: {  	p0 =	seq.s32 s10, $0x1;
	s10 =	sld [smem:$0x3FB9];
	_ =	sdelay $0x3  }
0x34: {  	[smem:$0x3FB9] =	sst s10  }
0x35: {  	s10 =	sld [smem:$0x3FB8];
	_ =	sdelay $0x3  }
0x36: {  	p1 =	seq.s32 s10, $0x1;
	s10 =	sld [smem:$0x3FB9];
	_ =	sdelay $0x3  }
0x37: {  	[smem:$0x3FB9] =	sst s10  }
0x38: {  	s10 =	sld [smem:$0x3FBA]  }
0x39: {  	_ = 	snop;
	(pc) =	sbr.ind lr, $3  }
0x3a: {  	_ = 	snop  }
0x3b: {  	_ = 	snop  }
0x3c: {  	p2 =	seq.s32 s10, $0x1;
	s10 =	sld [smem:$0x3FB9]  }
0x3d: {  	_ =	shalt  }
0x3e: {  	_ =	shalt  }
0x3f: {  	_ =	shalt  }
0x40: {  	_ =	shalt  }
0x41: {  	_ =	shalt  }
0x42: {  	_ =	shalt  }
0x43: {  	_ =	shalt  }
0x44: {  	_ =	shalt  }
0x45: {  	_ =	shalt  }
0x46: {  	_ =	shalt  }
0x47: {  	_ =	shalt  }
0x48: {  	_ =	shalt  }
0x49: {  	_ =	shalt  }
0x4a: {  	_ =	shalt  }
0x4b: {  	_ =	shalt  }
0x4c: {  	_ =	shalt  }
0x4d: {  	_ =	shalt  }
0x4e: {  	_ =	shalt  }
0x4f: {  	_ =	shalt  }
0x50: {  	_ =	shalt  }
0x51: {  	_ =	shalt  }
0x52: {  	_ =	shalt  }
0x53: {  	_ =	shalt  }
0x54: {  	_ =	shalt  }
0x55: {  	_ =	shalt  }
0x56: {  	_ =	shalt  }
0x57: {  	_ =	shalt  }
0x58: {  	_ =	shalt  }
0x59: {  	_ =	shalt  }
0x5a: {  	_ =	shalt  }
0x5b: {  	_ =	shalt  }
0x5c: {  	_ =	shalt  }
0x5d: {  	_ =	shalt  }
0x5e: {  	_ =	shalt  }
0x5f: {  	_ =	shalt  }
0x60: {  	_ =	shalt  }
0x61: {  	_ =	shalt  }
0x62: {  	_ =	shalt  }
0x63: {  	_ =	shalt  }
0x64: {  	_ =	shalt  }
0x65: {  	_ =	shalt  }
0x66: {  	_ =	shalt  }
0x67: {  	_ =	shalt  }
0x68: {  	_ =	shalt  }
0x69: {  	_ =	shalt  }
0x6a: {  	_ =	shalt  }
0x6b: {  	_ =	shalt  }
0x6c: {  	_ =	shalt  }
0x6d: {  	_ =	shalt  }
0x6e: {  	_ =	shalt  }
0x6f: {  	_ =	shalt  }
0x70: {  	_ =	shalt  }
0x71: {  	_ =	shalt  }
0x72: {  	_ =	shalt  }
0x73: {  	_ =	shalt  }
0x74: {  	_ =	shalt  }
0x75: {  	_ =	shalt  }
0x76: {  	_ =	shalt  }
0x77: {  	_ =	shalt  }
0x78: {  	_ =	shalt  }
0x79: {  	_ =	shalt  }
0x7a: {  	_ =	shalt  }
0x7b: {  	_ =	shalt  }
0x7c: {  	_ =	shalt  }
0x7d: {  	_ =	shalt  }
0x7e: {  	_ =	shalt  }
0x7f: {  	_ =	shalt  }
0x80: {  	_ =	shalt  }
0x81: {  	_ =	shalt  }
0x82: {  	_ =	shalt  }
0x83: {  	_ =	shalt  }
0x84: {  	_ =	shalt  }
0x85: {  	_ =	shalt  }
0x86: {  	_ =	shalt  }
0x87: {  	_ =	shalt  }
.Lfunc_end0:
.L_simem_size_0:
called_computation.1_lowered:
.L_overlay_start_0:
0x88: {  	s2 =	sld [smem:$0x3FD9]  }
0x89: {  	s3 =	sld [smem:$0x3FFE];
	_ =	sdelay $0x1  }
0x8a: {  	s1 =	srdreg.scid  }
0x8b: {  	s0 =	sand.u32 $0x1, s1  }
0x8c: {  	s14 =	sshll.u32 s0, $0xA;
	s2 =	sadd.s32 s3, s2  }
0x8d: {  	s2 =	sadd.s32 s2, s14  }
0x8e: {  	[smem:$0x3FC5] =	sst s2  }
0x8f: {  	_ = 	snop  }
0x90: {  	s2 =	sld [smem:$0x3FD0];
	_ =	sdelay $0x2  }
0x91: {  	s15 =	simm.s32 $0xA;
	s4 =	simm.s32 $0x10  }
0x92: {  	[smem:s4], [sflag:s15] =	dma.local [hbm:s2], $0x1  }
0x93: {  	_ =	swait.eq [sflag:s15], $0x1  }
0x94: {  	[sflag:s15] =	ssyncset.done $0x0  }
0x95: {  	[sflag:s15] =	ssyncadd.s32 $0xFFFFFFFF  }
0x96: {  	s16 =	sld [smem:$0x10];
	(tm) =	ssettm $0x1  }
0x97: {  	s17 =	sld [smem:$0x3FFB];
	_ =	sdelay $0x3  }
0x98: {  	_ =	strace s17  }
0x99: {  	s3 =	sld [smem:$0x3FFC];
	_ =	sdelay $0x3  }
0x9a: {  	_ =	strace s3  }
0x9b: {  	s3 =	sld [smem:$0x3FFD];
	_ =	sdelay $0x3  }
0x9c: {  	_ =	strace s3  }
0x9d: {  	_ =	strace $0x8FFFFFFF  }
0x9e: {  	s18 =	sld [smem:$0x3FDB];
	_ =	sdelay $0x1  }
0x9f: {  	s19 =	simm.s32 $_scs_section_size  }
0xa0: {  	s5 =	simm.s32 $_size__tile_overlayer_lowered;
	s6 =	simm.s32 $_tile_overlayer_lowered  }
0xa1: {  	s22 =	simm.s32 $0x1BFF;
	s21 =	sshll.u32 s6, $0x1;
	s3 =	sadd.s32 s19, s18  }
0xa2: {  	s7 =	simm.s32 $0x0;
	s20 =	sshll.u32 s5, $0x1;
	s5 =	sadd.s32 s21, s3  }
0xa3: {  	[timem:s7], [sflag:s22] =	dma.local [hbm:s5], s20  }
0xa4: {  	_ =	swait.ge [sflag:s22], s20  }
0xa5: {  	s4 =	ssub.s32 $0x0, s20;
	[sflag:s22] =	ssyncset.done $0x0  }
0xa6: {  	[sflag:s22] =	ssyncadd.s32 s4;
	_ =	sdelay $0x1  }
0xa7: {  	s23 =	simm.s32 $0x1B8B  }
0xa8: {  	_ =	swait.ge [sflag:s23], $0x1  }
0xa9: {  	[sflag:s23] =	ssyncset.done $0x0  }
0xaa: {  	s25 =	simm.s32 $0x1B8E;
	s24 =	sld [smem:$0x3FFE];
	[sflag:s23] =	ssyncadd.s32 $0xFFFFFFFF  }
0xab: {  	s26 =	simm.s32 $execute0_lowered;
	[smem:$0x3FD2] =	sst s25  }
0xac: {  	s5 =	sshll.u32 s26, $0x1;
	_ =	strace $0x80000049;
	[dreg:$0x1] =	wrdreg $0xFFFFFFFF  }
0xad: {  	s28 =	simm.s32 $_size_execute0_lowered;
	s3 =	sadd.s32 s3, s5;
	[dreg:$0x0] =	wrdreg $0x0  }
0xae: {  	s5 =	sshll.u32 s28, $0x1;
	[dreg:$0x2] =	wrdreg s3  }
0xaf: {  	[dreg:$0x3] =	wrdreg s5  }
0xb0: {  	[dreg:$0x4] =	wrdreg $0xC0  }
0xb1: {  	_ =	task [dreg:s7], $0x5FFFF  }
0xb2: {  	[dreg:$0x1] =	wrdreg $0xFFFFFFFF  }
0xb3: {  	[dreg:$0x0] =	wrdreg $0x60  }
0xb4: {  	[dreg:$0x2] =	wrdreg s24  }
0xb5: {  	[dreg:$0x3] =	wrdreg s16  }
0xb6: {  	[dreg:$0x4] =	wrdreg $0x0  }
0xb7: {  	[dreg:$0x5] =	wrdreg $0x9  }
0xb8: {  	_ =	task.clear_ibuf [dreg:s7], $0x6FFFF;
	_ =	strace $0x90000049  }
0xb9: {  	s29 =	simm.s32 $0x9;
	_ =	strace $0x8000004B  }
0xba: {  	_ =	swait.ge [sflag:s29], $0x1  }
0xbb: {  	[sflag:s29] =	ssyncadd.s32 $0xFFFFFFFF  }
0xbc: {  	_ =	strace $0x9000004B  }
0xbd: {  	_ =	sfence  }
0xbe: {  	s30 =	sld [smem:$0x0];
	_ =	sdelay $0x2  }
0xbf: {  	s31 =	sshll.u32 s1, $0xD;
	s1 =	sshrl.u32 s1, $0x2  }
0xc0: {  	s3 =	sand.u32 $0x4000, s31;
	s1 =	sadd.s32 s1, s30  }
0xc1: {  	s0 =	sor.u32 s3, s0;
	s1 =	sshll.u32 s1, $0x11  }
0xc2: {  	s0 =	sor.u32 s1, s0  }
0xc3: {  	s0 =	sadd.s32 $0x8F2B, s0  }
0xc4: {  	[sflag:s0] =	ssyncadd.remote.s32 $0x1  }
0xc5: {  	_ =	sfence.sel $0xFFFF  }
0xc6: {  	[dreg:$0x0] =	wrdreg $0xFFFFFFFF;
	(pc) =	sbr.abs _section_cstart, $3  }
0xc7: {  	[dreg:$0x1] =	wrdreg $0xFFFFFFFF  }
0xc8: {  	_ =	task.clear_ibuf [dreg:s7], $0x2FFFF;
	_ =	strace $0x9FFFFFFF  }
0xc9: {  	(tm) =	ssettm $0x7FFFFFFF  }
tec
execute0_lowered:
.L_overlay_start_1:
0x0: {  	(tag) =	ssettag $0x1  }
0x1: {  	s5 =	rddreg [dreg:$0x0]  }
0x2: {  	s7 =	rddreg [dreg:$0x1]  }
0x3: {  	s1 =	rddreg [dreg:$0x2]  }
0x4: {  	s2 =	srdreg.scid;
	s0 =	rddreg [dreg:$0x3];
	s3 =	simm.s32 $0x0  }
0x5: {  	s14 =	simm.s32 $0x16780;
	s15 =	simm.s32 $0x50;
	s16 =	simm.s32 $0x1A780  }
0x6: {  	s17 =	simm.s32 $0x1CF80;
	s18 =	simm.s32 $0x1;
	s19 =	simm.s32 $0x2  }
0x7: {  	s20 =	simm.s32 $0x1A580;
	s6 =	sand.u32 $0x1, s2;
	s2 =	stileid.u32  }
0x8: {  	s21 =	simm.s32 $0x0;
	[smem:$0x7FF] =	sst s3;
	s9 =	smul.u32 $0x2800, s2  }
0x9: {  	s4 =	sshll.u32 s6, $0x4;
	_ =	strace $0x8000004A;
	s11 =	smul.u32 $0x28000, s6  }
0xa: {  	s6 =	ssub.s32 $0x2, s6;
	s13 =	smul.u32 $0x50000, s2;
	s31 =	sshll.u32 s2, $0x6  }
0xb: {  	s8 =	sor.u32 s2, s4;
	s4 =	sadd.s32 $0x12600, s5;
	s12 =	sshrl.u32 s6, $0x1  }
0xc: {  	s10 =	sshll.u32 s8, $0xB;
	s11 =	sadd.s32 s9, s11;
	s9 =	sadd.s32 s9, s5  }
0xd: {  	s12 =	ssub.s32 s6, s12;
	s30 =	sshrl.u32 s13, $0x2;
	s8 =	smul.u32 $0x4E2, s8  }
0xe: {  	s6 =	sor.u32 $0x1C03, s31;
	s10 =	sadd.s32 s10, s5;
	s11 =	sadd.s32 s11, s5  }
0xf: {  	s13 =	sadd.s32 s30, s1;
	s5 =	sadd.s32 $0x60A00, s9;
	s7 =	sadd.s32 s7, s8  }
0x10: {  	s8 =	sadd.s32 $0x2600, s10;
	s9 =	sadd.s32 $0x88A00, s11;
	s10 =	smax.u32 s12, $0x1  }
0x11: {  	s11 =	sshrl.u32 s13, $0x3;
	s12 =	simm.s32 $0x3;
	s13 =	simm.s32 $0x14000  }
.LBB2_1:
0x12: {  	[spmem:s11], [sflag:s6] =	dma.local [hbm:s5], $0x2800  }
0x13: {  	_ =	swait.ge [sflag:s12], $0x2800  }
0x14: {  	[sflag:s12] =	ssyncset.done $0x0  }
0x15: {  	[sflag:s12] =	ssyncadd.s32 $0xFFFFD800  }
0x16: {  	[tilespmem:s13], [sflag:$0x3] =	stream.linear.gather [hbm4b:s7+s3], $0x2710, $0x38;
	[tilespmem:$0x1F780] =	vst v63  }
0x17: {  	_ =	swait.ge [sflag:s12], $0x2710  }
0x18: {  	[sflag:s12] =	ssyncset.done $0x0  }
0x19: {  	[sflag:s12] =	ssyncadd.s32 $0xFFFFD8F0  }
0x1a: {  	[tilespmem:s14], [sflag:$0x3] =	stream.linear.gather [hbm4b:s8+s3], $0x3E80, $0x38;
	[tilespmem:$0x1F780] =	vst v63  }
0x1b: {  	_ =	swait.ge [sflag:s12], $0x3E80  }
0x1c: {  	[sflag:s12] =	ssyncset.done $0x0  }
0x1d: {  	[sflag:s12] =	ssyncadd.s32 $0xFFFFC180  }
0x1e: {  	[bflag:$0x0] =	sbarrier.arrive $0xFFFF  }
0x1f: {  	[tilespmem:s16], [sflag:$0x1] =	stream.indirect.gather [hbm4b:s4+s15], $0x80, s13, s15, $0xb8;
	[tilespmem:$0x1F780] =	vst v63  }
0x20: {  	s22 =	simm.s32 $0x14050  }
0x21: {  	[tilespmem:s17], [sflag:$0x2] =	stream.indirect.gather [hbm4b:s4+s15], $0x80, s22, s15, $0xb8;
	[tilespmem:$0x1F780] =	vst v63  }
0x22: {  	_ =	swait.ge [sflag:s18], $0x2800  }
0x23: {  	[sflag:s18] =	ssyncset.done $0x0  }
0x24: {  	s29 =	simm.s32 $0x16780;
	[sflag:s18] =	ssyncadd.s32 $0xFFFFD800  }
0x25: {  	[spmem:s1] =	stream.indirect.scatter.add.f32 [tilespmem:s16], [sflag:$0x3], $0x80, s29, s15, $0xb8;
	[tilespmem:$0x1F780] =	vst v63  }
0x26: {  	_ =	swait.ge [sflag:s12], $0x2800  }
0x27: {  	[sflag:s12] =	ssyncset.done $0x0  }
0x28: {  	s30 =	simm.s32 $0x140A0;
	[sflag:s12] =	ssyncadd.s32 $0xFFFFD800  }
0x29: {  	[tilespmem:s16], [sflag:$0x1] =	stream.indirect.gather [hbm4b:s4+s15], $0x80, s30, s15, $0xb8;
	[tilespmem:$0x1F780] =	vst v63  }
0x2a: {  	_ =	swait.ge [sflag:s19], $0x2800  }
0x2b: {  	[sflag:s19] =	ssyncset.done $0x0  }
0x2c: {  	s31 =	simm.s32 $0x16800;
	[sflag:s19] =	ssyncadd.s32 $0xFFFFD800  }
0x2d: {  	[spmem:s1] =	stream.indirect.scatter.add.f32 [tilespmem:s17], [sflag:$0x3], $0x80, s31, s15, $0xb8;
	[tilespmem:$0x1F780] =	vst v63  }
0x2e: {  	s23 =	simm.s32 $0x400;
	_ =	swait.ge [sflag:s12], $0x2800  }
0x2f: {  	s24 =	simm.s32 $0x800;
	s22 =	simm.s32 $0x14140;
	[sflag:s12] =	ssyncset.done $0x0  }
.LBB2_2:
0x30: {  	p0 =	sne.s32 s24, $0xF400;
	s25 =	sadd.s32 $0xFFFFFFB0, s22;
	[sflag:s12] =	ssyncadd.s32 $0xFFFFD800  }
0x31: {  	[tilespmem:s17], [sflag:$0x2] =	stream.indirect.gather [hbm4b:s4+s15], $0x80, s25, s15, $0xb8;
	[tilespmem:$0x1F780] =	vst v63  }
0x32: {  	s25 =	smov.u32 s24;
	s24 =	sadd.s32 $0x400, s24;
	_ =	swait.ge [sflag:s18], $0x2800  }
0x33: {  	s26 =	sshra.s32 s23, $0x2;
	s23 =	smov.u32 s25;
	[sflag:s18] =	ssyncset.done $0x0  }
0x34: {  	s25 =	sadd.s32 $0x16780, s26;
	[sflag:s18] =	ssyncadd.s32 $0xFFFFD800  }
0x35: {  	[spmem:s1] =	stream.indirect.scatter.add.f32 [tilespmem:s16], [sflag:$0x3], $0x80, s25, s15, $0xb8;
	[tilespmem:$0x1F780] =	vst v63  }
0x36: {  	_ =	swait.ge [sflag:s12], $0x2800  }
0x37: {  	[sflag:s12] =	ssyncset.done $0x0  }
0x38: {  	[sflag:s12] =	ssyncadd.s32 $0xFFFFD800  }
0x39: {  	[tilespmem:s16], [sflag:$0x1] =	stream.indirect.gather [hbm4b:s4+s15], $0x80, s22, s15, $0xb8;
	[tilespmem:$0x1F780] =	vst v63  }
0x3a: {  	_ =	swait.ge [sflag:s19], $0x2800  }
.Ltmp0:
0x3b: {  	[sflag:s19] =	ssyncset.done $0x0;
	(pc) =	sbr.rel @p0 .LBB2_2-.Ltmp0, $4  }
0x3c: {  	s25 =	sadd.s32 $0x16800, s26;
	[sflag:s19] =	ssyncadd.s32 $0xFFFFD800  }
0x3d: {  	[spmem:s1] =	stream.indirect.scatter.add.f32 [tilespmem:s17], [sflag:$0x3], $0x80, s25, s15, $0xb8;
	[tilespmem:$0x1F780] =	vst v63  }
0x3e: {  	_ =	swait.ge [sflag:s12], $0x2800  }
0x3f: {  	s22 =	sadd.s32 $0xA0, s22;
	[sflag:s12] =	ssyncset.done $0x0  }
0x40: {  	s24 =	sadd.s32 $0xFFFFFFB0, s22;
	[sflag:s12] =	ssyncadd.s32 $0xFFFFD800  }
0x41: {  	[tilespmem:s17], [sflag:$0x2] =	stream.indirect.gather [hbm4b:s4+s15], $0x80, s24, s15, $0xb8;
	[tilespmem:$0x1F780] =	vst v63  }
0x42: {  	_ =	swait.ge [sflag:s18], $0x2800  }
0x43: {  	s23 =	sshra.s32 s23, $0x2;
	[sflag:s18] =	ssyncset.done $0x0  }
0x44: {  	s30 =	sadd.s32 $0x16780, s23;
	[sflag:s18] =	ssyncadd.s32 $0xFFFFD800  }
0x45: {  	[spmem:s1] =	stream.indirect.scatter.add.f32 [tilespmem:s16], [sflag:$0x3], $0x80, s30, s15, $0xb8;
	[tilespmem:$0x1F780] =	vst v63  }
0x46: {  	_ =	swait.ge [sflag:s12], $0x2800  }
0x47: {  	[sflag:s12] =	ssyncset.done $0x0  }
0x48: {  	[sflag:s12] =	ssyncadd.s32 $0xFFFFD800  }
0x49: {  	[tilespmem:s16], [sflag:$0x1] =	stream.indirect.gather [hbm4b:s4+s15], $0x80, s22, s15, $0xb8;
	[tilespmem:$0x1F780] =	vst v63  }
0x4a: {  	_ =	swait.ge [sflag:s19], $0x2800  }
0x4b: {  	[sflag:s19] =	ssyncset.done $0x0  }
0x4c: {  	s31 =	sadd.s32 $0x16800, s23;
	[sflag:s19] =	ssyncadd.s32 $0xFFFFD800  }
0x4d: {  	[spmem:s1] =	stream.indirect.scatter.add.f32 [tilespmem:s17], [sflag:$0x3], $0x80, s31, s15, $0xb8;
	[tilespmem:$0x1F780] =	vst v63  }
0x4e: {  	_ =	swait.ge [sflag:s12], $0x2800  }
0x4f: {  	[sflag:s12] =	ssyncset.done $0x0  }
0x50: {  	[sflag:s12] =	ssyncadd.s32 $0xFFFFD800  }
0x51: {  	_ =	swait.ge [sflag:s18], $0x2800  }
0x52: {  	[sflag:s18] =	ssyncset.done $0x0  }
0x53: {  	[sflag:s18] =	ssyncadd.s32 $0xFFFFD800  }
0x54: {  	[spmem:s1] =	stream.indirect.scatter.add.f32 [tilespmem:s16], [sflag:$0x3], $0x80, s20, s15, $0xb8;
	[tilespmem:$0x1F780] =	vst v63  }
0x55: {  	_ =	swait.ge [sflag:s12], $0x2800  }
0x56: {  	s21 =	sadd.s32 $0x1, s21;
	[sflag:s12] =	ssyncset.done $0x0  }
0x57: {  	p0 =	sne.s32 s21, s10;
	[sflag:s12] =	ssyncadd.s32 $0xFFFFD800  }
.Ltmp1:
0x58: {  	[bflag:$0x0] =	sbarrier.arrive $0xFFFF;
	(pc) =	sbr.rel @p0 .LBB2_1-.Ltmp1, $4  }
0x59: {  	[hbm:s9], [sflag:s6] =	dma.local [spmem:s11], $0x2800  }
0x5a: {  	_ =	swait.ge [sflag:s12], $0x2800  }
0x5b: {  	[sflag:s12] =	ssyncset.done $0x0  }
0x5c: {  	[sflag:s12] =	ssyncadd.s32 $0xFFFFD800  }
0x5d: {  	_ =	sfence.sel $0x180000  }
0x5e: {  	[bflag:$0x0] =	sbarrier.arrive $0xFFFF  }
0x5f: {  	p0 =	sne.s32 s2, $0x0;
	_ =	strace $0x9000004A  }
0x60: {  	s0 =	sadd.s32 @!p0 $0x100000, s0;
	[bflag:$0x2] =	sbarrier.arrive $0xFFFF  }
0x61: {  	[sflag:s0] =	ssyncadd.tile.s32 @!p0 $0x1;
	_ =	shalt  }
.Lfunc_end2:
_tile_overlayer_lowered:
.L_overlay_start_2:
0x62: {  	(tag) =	ssettag $0x2  }
0x63: {  	s0 =	rddreg [dreg:$0x0];
	s2 =	stileid.u32  }
0x64: {  	s1 =	rddreg [dreg:$0x1];
	p0 =	sne.s32 s2, $0x0  }
0x65: {  	s3 =	rddreg [dreg:$0x2];
	[bflag:$0x3] =	sbarrier.arrive $0xFFFF;
	s2 =	simm.s32 @!p0 $0x1C03  }
0x66: {  	[timem:s3], [sflag:s2] =	dma.local @!p0 [hbm:s0], s1  }
0x67: {  	s0 =	simm.s32 @!p0 $0x3  }
0x68: {  	_ =	swait.ge @!p0 [sflag:s0], s1  }
0x69: {  	s1 =	ssub.s32 @!p0 $0x0, s1;
	[sflag:s0] =	ssyncset.done @!p0 $0x0  }
0x6a: {  	[sflag:s0] =	ssyncadd.s32 @!p0 s1  }
0x6b: {  	[bflag:$0x3] =	sbarrier.arrive $0xFFFF  }
0x6c: {  	_ =	shalt  }

// kernel: kernel.17.cloned.1.call-start
scs
__scs_entry_jumppad:
0x0: {  	(pc) =	sbr.rel $0x88, $3  }
0x1: {  	(tag) =	ssettag $0x0;
	lr =	simm.s32 $0x1  }
0x2: {  	[smem:$0x3F9E] =	sst lr;
	_ =	strace $0xD0000000  }
0x3: {  	_ = 	snop  }
0x4: {  	_ = 	snop  }
0x5: {  	_ = 	snop  }
0x6: {  	_ = 	snop  }
0x7: {  	_ = 	snop  }
__scs_overlays_trampoline_lowered:
0x8: {  	[smem:$0x3FAD] =	sst s0  }
0x9: {  	[smem:$0x3FAE] =	sst s1  }
0xa: {  	[smem:$0x3FAF] =	sst s2  }
0xb: {  	[smem:$0x3FB0] =	sst s3  }
0xc: {  	[smem:$0x3FB1] =	sst s4  }
0xd: {  	[smem:$0x3FB2] =	sst s5  }
0xe: {  	[smem:$0x3FB3] =	sst s6  }
0xf: {  	[smem:$0x3FB4] =	sst s7  }
0x10: {  	[smem:$0x3FB5] =	sst s8  }
0x11: {  	[smem:$0x3FB6] =	sst s9;
	s0 =	simm.s32 @!p0 $0x0  }
0x12: {  	s1 =	sld [smem:$0x3F9C];
	s0 =	simm.s32 @p0 $0x1  }
0x13: {  	[smem:$0x3FB7] =	sst s0;
	s0 =	simm.s32 @!p1 $0x0  }
0x14: {  	s2 =	sld [smem:$0x3F9B];
	s0 =	simm.s32 @p1 $0x1  }
0x15: {  	[smem:$0x3FB8] =	sst s0;
	s0 =	simm.s32 @!p2 $0x0  }
0x16: {  	s3 =	sld [smem:$0x3FDB];
	s0 =	simm.s32 @p2 $0x1  }
0x17: {  	s4 =	simm.s32 $0x1BF5;
	[smem:$0x3FBA] =	sst s0  }
0x18: {  	s0 =	sld [smem:$0x3F9D];
	_ =	swait.ge [sflag:s4], $0x0  }
0x19: {  	s7 =	sld [smem:$0x3F9E]  }
0x1a: {  	s8 =	sadd.s32 $0xFFFFE003, lr  }
0x1b: {  	s9 =	sadd.s32 $0xFFFFFEF7, lr;
	s5 =	simm.s32 $0xFFFFFFFF;
	p2 =	slt.u32 s8, $0xFFFFF086  }
0x1c: {  	p1 =	slt.u32 s9, $0xF7A;
	s5 =	simm.s32 @!p2 $0x0  }
0x1d: {  	s5 =	simm.s32 @p1 $0x1;
	p0 =	seq.s32 s7, s2  }
0x1e: {  	s7 =	smul.u32 @!p0 $0xF7A, s2;
	p2 =	seq.s32 @!p0 s5, $0x0  }
0x1f: {  	s9 =	smul.u32 $0xF7A, s1;
	s8 =	simm.s32 @!p0 $0x1BF5;
	p2 =	por !p2, p0  }
0x20: {  	[sflag:s8] =	ssyncset.s32 @!p0 $0xFFFFF086;
	s6 =	sadd.s32 @!p0 s3, s7;
	s7 =	simm.s32 @!p0 $0x108  }
0x21: {  	s3 =	sadd.s32 s3, s9;
	s6 =	sadd.s32 @!p0 $0x88, s6;
	s7 =	simm.s32 @p2 $0x1082  }
0x22: {  	[simem:s7], [sflag:s8] =	dma.local @!p0 [hbm:s6], $0xF7A  }
0x23: {  	s9 =	sor.u32 $0xD0000000, s2;
	s6 =	simm.s32 $0x108;
	_ =	swait.ge @!p0 [sflag:s8], $0x0  }
0x24: {  	s3 =	sadd.s32 $0x88, s3;
	s6 =	simm.s32 @!p1 $0x1082;
	[sflag:s4] =	ssyncset.s32 $0xFFFFF086  }
0x25: {  	[simem:s6], [sflag:s4] =	dma.local [hbm:s3], $0xF7A  }
0x26: {  	[smem:$0x3F9E] =	sst s1;
	(tag) =	ssettag s2;
	_ =	strace s9  }
0x27: {  	s1 =	sld [smem:$0x3FAE]  }
0x28: {  	s2 =	sld [smem:$0x3FAF]  }
0x29: {  	s4 =	sld [smem:$0x3FB1]  }
0x2a: {  	p0 =	seq.s32 s5, $0x0;
	s5 =	sld [smem:$0x3FB2]  }
0x2b: {  	s6 =	sld [smem:$0x3FB3]  }
0x2c: {  	s7 =	sld [smem:$0x3FB4]  }
0x2d: {  	s3 =	simm.s32 $0x108;
	s8 =	sld [smem:$0x3FB5]  }
0x2e: {  	s3 =	simm.s32 @!p0 $0x1082;
	s9 =	sld [smem:$0x3FB6]  }
0x2f: {  	lr =	sadd.s32 s0, s3;
	s0 =	sld [smem:$0x3FAD]  }
0x30: {  	s3 =	sld [smem:$0x3FB0]  }
0x31: {  	[smem:$0x3FB9] =	sst s10  }
0x32: {  	s10 =	sld [smem:$0x3FB7];
	_ =	sdelay $0x3  }
0x33: {  	p0 =	seq.s32 s10, $0x1;
	s10 =	sld [smem:$0x3FB9];
	_ =	sdelay $0x3  }
0x34: {  	[smem:$0x3FB9] =	sst s10  }
0x35: {  	s10 =	sld [smem:$0x3FB8];
	_ =	sdelay $0x3  }
0x36: {  	p1 =	seq.s32 s10, $0x1;
	s10 =	sld [smem:$0x3FB9];
	_ =	sdelay $0x3  }
0x37: {  	[smem:$0x3FB9] =	sst s10  }
0x38: {  	s10 =	sld [smem:$0x3FBA]  }
0x39: {  	_ = 	snop;
	(pc) =	sbr.ind lr, $3  }
0x3a: {  	_ = 	snop  }
0x3b: {  	_ = 	snop  }
0x3c: {  	p2 =	seq.s32 s10, $0x1;
	s10 =	sld [smem:$0x3FB9]  }
0x3d: {  	_ =	shalt  }
0x3e: {  	_ =	shalt  }
0x3f: {  	_ =	shalt  }
0x40: {  	_ =	shalt  }
0x41: {  	_ =	shalt  }
0x42: {  	_ =	shalt  }
0x43: {  	_ =	shalt  }
0x44: {  	_ =	shalt  }
0x45: {  	_ =	shalt  }
0x46: {  	_ =	shalt  }
0x47: {  	_ =	shalt  }
0x48: {  	_ =	shalt  }
0x49: {  	_ =	shalt  }
0x4a: {  	_ =	shalt  }
0x4b: {  	_ =	shalt  }
0x4c: {  	_ =	shalt  }
0x4d: {  	_ =	shalt  }
0x4e: {  	_ =	shalt  }
0x4f: {  	_ =	shalt  }
0x50: {  	_ =	shalt  }
0x51: {  	_ =	shalt  }
0x52: {  	_ =	shalt  }
0x53: {  	_ =	shalt  }
0x54: {  	_ =	shalt  }
0x55: {  	_ =	shalt  }
0x56: {  	_ =	shalt  }
0x57: {  	_ =	shalt  }
0x58: {  	_ =	shalt  }
0x59: {  	_ =	shalt  }
0x5a: {  	_ =	shalt  }
0x5b: {  	_ =	shalt  }
0x5c: {  	_ =	shalt  }
0x5d: {  	_ =	shalt  }
0x5e: {  	_ =	shalt  }
0x5f: {  	_ =	shalt  }
0x60: {  	_ =	shalt  }
0x61: {  	_ =	shalt  }
0x62: {  	_ =	shalt  }
0x63: {  	_ =	shalt  }
0x64: {  	_ =	shalt  }
0x65: {  	_ =	shalt  }
0x66: {  	_ =	shalt  }
0x67: {  	_ =	shalt  }
0x68: {  	_ =	shalt  }
0x69: {  	_ =	shalt  }
0x6a: {  	_ =	shalt  }
0x6b: {  	_ =	shalt  }
0x6c: {  	_ =	shalt  }
0x6d: {  	_ =	shalt  }
0x6e: {  	_ =	shalt  }
0x6f: {  	_ =	shalt  }
0x70: {  	_ =	shalt  }
0x71: {  	_ =	shalt  }
0x72: {  	_ =	shalt  }
0x73: {  	_ =	shalt  }
0x74: {  	_ =	shalt  }
0x75: {  	_ =	shalt  }
0x76: {  	_ =	shalt  }
0x77: {  	_ =	shalt  }
0x78: {  	_ =	shalt  }
0x79: {  	_ =	shalt  }
0x7a: {  	_ =	shalt  }
0x7b: {  	_ =	shalt  }
0x7c: {  	_ =	shalt  }
0x7d: {  	_ =	shalt  }
0x7e: {  	_ =	shalt  }
0x7f: {  	_ =	shalt  }
0x80: {  	_ =	shalt  }
0x81: {  	_ =	shalt  }
0x82: {  	_ =	shalt  }
0x83: {  	_ =	shalt  }
0x84: {  	_ =	shalt  }
0x85: {  	_ =	shalt  }
0x86: {  	_ =	shalt  }
0x87: {  	_ =	shalt  }
.Lfunc_end0:
.L_simem_size_0:
called_computation.2_lowered:
.L_overlay_start_0:
0x88: {  	s2 =	sld [smem:$0x3FD9]  }
0x89: {  	s3 =	sld [smem:$0x3FFE];
	_ =	sdelay $0x1  }
0x8a: {  	s1 =	srdreg.scid  }
0x8b: {  	s0 =	sand.u32 $0x1, s1  }
0x8c: {  	s14 =	sshll.u32 s0, $0xA;
	s2 =	sadd.s32 s3, s2  }
0x8d: {  	s2 =	sadd.s32 s2, s14  }
0x8e: {  	[smem:$0x3FC5] =	sst s2  }
0x8f: {  	_ = 	snop  }
0x90: {  	s2 =	sld [smem:$0x3FD0];
	_ =	sdelay $0x2  }
0x91: {  	s15 =	simm.s32 $0xA;
	s4 =	simm.s32 $0x10  }
0x92: {  	[smem:s4], [sflag:s15] =	dma.local [hbm:s2], $0x1  }
0x93: {  	_ =	swait.eq [sflag:s15], $0x1  }
0x94: {  	[sflag:s15] =	ssyncset.done $0x0  }
0x95: {  	[sflag:s15] =	ssyncadd.s32 $0xFFFFFFFF  }
0x96: {  	s16 =	sld [smem:$0x10];
	(tm) =	ssettm $0x1  }
0x97: {  	s17 =	sld [smem:$0x3FFB];
	_ =	sdelay $0x3  }
0x98: {  	_ =	strace s17  }
0x99: {  	s3 =	sld [smem:$0x3FFC];
	_ =	sdelay $0x3  }
0x9a: {  	_ =	strace s3  }
0x9b: {  	s3 =	sld [smem:$0x3FFD];
	_ =	sdelay $0x3  }
0x9c: {  	_ =	strace s3  }
0x9d: {  	_ =	strace $0x8FFFFFFF  }
0x9e: {  	s18 =	sld [smem:$0x3FDB];
	_ =	sdelay $0x1  }
0x9f: {  	s19 =	simm.s32 $_scs_section_size  }
0xa0: {  	s5 =	simm.s32 $_size__tile_overlayer_lowered;
	s6 =	simm.s32 $_tile_overlayer_lowered  }
0xa1: {  	s22 =	simm.s32 $0x1BFF;
	s21 =	sshll.u32 s6, $0x1;
	s3 =	sadd.s32 s19, s18  }
0xa2: {  	s7 =	simm.s32 $0x0;
	s20 =	sshll.u32 s5, $0x1;
	s5 =	sadd.s32 s21, s3  }
0xa3: {  	[timem:s7], [sflag:s22] =	dma.local [hbm:s5], s20  }
0xa4: {  	_ =	swait.ge [sflag:s22], s20  }
0xa5: {  	s4 =	ssub.s32 $0x0, s20;
	[sflag:s22] =	ssyncset.done $0x0  }
0xa6: {  	[sflag:s22] =	ssyncadd.s32 s4;
	_ =	sdelay $0x1  }
0xa7: {  	s23 =	simm.s32 $0x1B8B  }
0xa8: {  	_ =	swait.ge [sflag:s23], $0x1  }
0xa9: {  	[sflag:s23] =	ssyncset.done $0x0  }
0xaa: {  	s25 =	simm.s32 $0x1B8E;
	s24 =	sld [smem:$0x3FFE];
	[sflag:s23] =	ssyncadd.s32 $0xFFFFFFFF  }
0xab: {  	s26 =	simm.s32 $execute0_lowered;
	[smem:$0x3FD2] =	sst s25  }
0xac: {  	s5 =	sshll.u32 s26, $0x1;
	_ =	strace $0x8000004C;
	[dreg:$0x1] =	wrdreg $0xFFFFFFFF  }
0xad: {  	s28 =	simm.s32 $_size_execute0_lowered;
	s3 =	sadd.s32 s3, s5;
	[dreg:$0x0] =	wrdreg $0x0  }
0xae: {  	s5 =	sshll.u32 s28, $0x1;
	[dreg:$0x2] =	wrdreg s3  }
0xaf: {  	[dreg:$0x3] =	wrdreg s5  }
0xb0: {  	[dreg:$0x4] =	wrdreg $0xC0  }
0xb1: {  	_ =	task [dreg:s7], $0x5FFFF  }
0xb2: {  	[dreg:$0x1] =	wrdreg $0xFFFFFFFF  }
0xb3: {  	[dreg:$0x0] =	wrdreg $0x60  }
0xb4: {  	[dreg:$0x2] =	wrdreg s24  }
0xb5: {  	[dreg:$0x3] =	wrdreg s16  }
0xb6: {  	[dreg:$0x4] =	wrdreg $0x0  }
0xb7: {  	[dreg:$0x5] =	wrdreg $0x9  }
0xb8: {  	_ =	task.clear_ibuf [dreg:s7], $0x6FFFF;
	_ =	strace $0x9000004C  }
0xb9: {  	s29 =	simm.s32 $0x9;
	_ =	strace $0x8000004E  }
0xba: {  	_ =	swait.ge [sflag:s29], $0x1  }
0xbb: {  	[sflag:s29] =	ssyncadd.s32 $0xFFFFFFFF  }
0xbc: {  	_ =	strace $0x9000004E  }
0xbd: {  	_ =	sfence  }
0xbe: {  	s30 =	sld [smem:$0x0];
	_ =	sdelay $0x2  }
0xbf: {  	s31 =	sshll.u32 s1, $0xD;
	s1 =	sshrl.u32 s1, $0x2  }
0xc0: {  	s3 =	sand.u32 $0x4000, s31;
	s1 =	sadd.s32 s1, s30  }
0xc1: {  	s0 =	sor.u32 s3, s0;
	s1 =	sshll.u32 s1, $0x11  }
0xc2: {  	s0 =	sor.u32 s1, s0  }
0xc3: {  	s0 =	sadd.s32 $0x8F2B, s0  }
0xc4: {  	[sflag:s0] =	ssyncadd.remote.s32 $0x1  }
0xc5: {  	_ =	sfence.sel $0xFFFF  }
0xc6: {  	[dreg:$0x0] =	wrdreg $0xFFFFFFFF;
	(pc) =	sbr.abs _section_cstart, $3  }
0xc7: {  	[dreg:$0x1] =	wrdreg $0xFFFFFFFF  }
0xc8: {  	_ =	task.clear_ibuf [dreg:s7], $0x2FFFF;
	_ =	strace $0x9FFFFFFF  }
0xc9: {  	(tm) =	ssettm $0x7FFFFFFF  }
tec
execute0_lowered:
.L_overlay_start_1:
0x0: {  	(tag) =	ssettag $0x1  }
0x1: {  	s5 =	rddreg [dreg:$0x0]  }
0x2: {  	s7 =	rddreg [dreg:$0x1]  }
0x3: {  	s1 =	rddreg [dreg:$0x2]  }
0x4: {  	s2 =	srdreg.scid;
	s0 =	rddreg [dreg:$0x3];
	s3 =	simm.s32 $0x0  }
0x5: {  	s14 =	simm.s32 $0x16780;
	s15 =	simm.s32 $0x50;
	s16 =	simm.s32 $0x1A780  }
0x6: {  	s17 =	simm.s32 $0x1CF80;
	s18 =	simm.s32 $0x1;
	s19 =	simm.s32 $0x2  }
0x7: {  	s20 =	simm.s32 $0x1A580;
	s6 =	sand.u32 $0x1, s2;
	s2 =	stileid.u32  }
0x8: {  	s21 =	simm.s32 $0x0;
	[smem:$0x7FF] =	sst s3;
	s9 =	smul.u32 $0x2800, s2  }
0x9: {  	s4 =	sshll.u32 s6, $0x4;
	_ =	strace $0x8000004D;
	s11 =	smul.u32 $0x28000, s6  }
0xa: {  	s6 =	ssub.s32 $0x2, s6;
	s13 =	smul.u32 $0x50000, s2;
	s31 =	sshll.u32 s2, $0x6  }
0xb: {  	s8 =	sor.u32 s2, s4;
	s4 =	sadd.s32 $0x12600, s5;
	s12 =	sshrl.u32 s6, $0x1  }
0xc: {  	s10 =	sshll.u32 s8, $0xB;
	s11 =	sadd.s32 s9, s11;
	s9 =	sadd.s32 s9, s5  }
0xd: {  	s12 =	ssub.s32 s6, s12;
	s30 =	sshrl.u32 s13, $0x2;
	s8 =	smul.u32 $0x4E2, s8  }
0xe: {  	s6 =	sor.u32 $0x1C03, s31;
	s10 =	sadd.s32 s10, s5;
	s11 =	sadd.s32 s11, s5  }
0xf: {  	s13 =	sadd.s32 s30, s1;
	s5 =	sadd.s32 $0x60A00, s9;
	s7 =	sadd.s32 s7, s8  }
0x10: {  	s8 =	sadd.s32 $0x2600, s10;
	s9 =	sadd.s32 $0x88A00, s11;
	s10 =	smax.u32 s12, $0x1  }
0x11: {  	s11 =	sshrl.u32 s13, $0x3;
	s12 =	simm.s32 $0x3;
	s13 =	simm.s32 $0x14000  }
.LBB2_1:
0x12: {  	[spmem:s11], [sflag:s6] =	dma.local [hbm:s5], $0x2800  }
0x13: {  	_ =	swait.ge [sflag:s12], $0x2800  }
0x14: {  	[sflag:s12] =	ssyncset.done $0x0  }
0x15: {  	[sflag:s12] =	ssyncadd.s32 $0xFFFFD800  }
0x16: {  	[tilespmem:s13], [sflag:$0x3] =	stream.linear.gather [hbm4b:s7+s3], $0x2710, $0x38;
	[tilespmem:$0x1F780] =	vst v63  }
0x17: {  	_ =	swait.ge [sflag:s12], $0x2710  }
0x18: {  	[sflag:s12] =	ssyncset.done $0x0  }
0x19: {  	[sflag:s12] =	ssyncadd.s32 $0xFFFFD8F0  }
0x1a: {  	[tilespmem:s14], [sflag:$0x3] =	stream.linear.gather [hbm4b:s8+s3], $0x3E80, $0x38;
	[tilespmem:$0x1F780] =	vst v63  }
0x1b: {  	_ =	swait.ge [sflag:s12], $0x3E80  }
0x1c: {  	[sflag:s12] =	ssyncset.done $0x0  }
0x1d: {  	[sflag:s12] =	ssyncadd.s32 $0xFFFFC180  }
0x1e: {  	[bflag:$0x0] =	sbarrier.arrive $0xFFFF  }
0x1f: {  	[tilespmem:s16], [sflag:$0x1] =	stream.indirect.gather [hbm4b:s4+s15], $0x80, s13, s15, $0xb8;
	[tilespmem:$0x1F780] =	vst v63  }
0x20: {  	s22 =	simm.s32 $0x14050  }
0x21: {  	[tilespmem:s17], [sflag:$0x2] =	stream.indirect.gather [hbm4b:s4+s15], $0x80, s22, s15, $0xb8;
	[tilespmem:$0x1F780] =	vst v63  }
0x22: {  	_ =	swait.ge [sflag:s18], $0x2800  }
0x23: {  	[sflag:s18] =	ssyncset.done $0x0  }
0x24: {  	s29 =	simm.s32 $0x16780;
	[sflag:s18] =	ssyncadd.s32 $0xFFFFD800  }
0x25: {  	[spmem:s1] =	stream.indirect.scatter.add.f32 [tilespmem:s16], [sflag:$0x3], $0x80, s29, s15, $0xb8;
	[tilespmem:$0x1F780] =	vst v63  }
0x26: {  	_ =	swait.ge [sflag:s12], $0x2800  }
0x27: {  	[sflag:s12] =	ssyncset.done $0x0  }
0x28: {  	s30 =	simm.s32 $0x140A0;
	[sflag:s12] =	ssyncadd.s32 $0xFFFFD800  }
0x29: {  	[tilespmem:s16], [sflag:$0x1] =	stream.indirect.gather [hbm4b:s4+s15], $0x80, s30, s15, $0xb8;
	[tilespmem:$0x1F780] =	vst v63  }
0x2a: {  	_ =	swait.ge [sflag:s19], $0x2800  }
0x2b: {  	[sflag:s19] =	ssyncset.done $0x0  }
0x2c: {  	s31 =	simm.s32 $0x16800;
	[sflag:s19] =	ssyncadd.s32 $0xFFFFD800  }
0x2d: {  	[spmem:s1] =	stream.indirect.scatter.add.f32 [tilespmem:s17], [sflag:$0x3], $0x80, s31, s15, $0xb8;
	[tilespmem:$0x1F780] =	vst v63  }
0x2e: {  	s23 =	simm.s32 $0x400;
	_ =	swait.ge [sflag:s12], $0x2800  }
0x2f: {  	s24 =	simm.s32 $0x800;
	s22 =	simm.s32 $0x14140;
	[sflag:s12] =	ssyncset.done $0x0  }
.LBB2_2:
0x30: {  	p0 =	sne.s32 s24, $0xF400;
	s25 =	sadd.s32 $0xFFFFFFB0, s22;
	[sflag:s12] =	ssyncadd.s32 $0xFFFFD800  }
0x31: {  	[tilespmem:s17], [sflag:$0x2] =	stream.indirect.gather [hbm4b:s4+s15], $0x80, s25, s15, $0xb8;
	[tilespmem:$0x1F780] =	vst v63  }
0x32: {  	s25 =	smov.u32 s24;
	s24 =	sadd.s32 $0x400, s24;
	_ =	swait.ge [sflag:s18], $0x2800  }
0x33: {  	s26 =	sshra.s32 s23, $0x2;
	s23 =	smov.u32 s25;
	[sflag:s18] =	ssyncset.done $0x0  }
0x34: {  	s25 =	sadd.s32 $0x16780, s26;
	[sflag:s18] =	ssyncadd.s32 $0xFFFFD800  }
0x35: {  	[spmem:s1] =	stream.indirect.scatter.add.f32 [tilespmem:s16], [sflag:$0x3], $0x80, s25, s15, $0xb8;
	[tilespmem:$0x1F780] =	vst v63  }
0x36: {  	_ =	swait.ge [sflag:s12], $0x2800  }
0x37: {  	[sflag:s12] =	ssyncset.done $0x0  }
0x38: {  	[sflag:s12] =	ssyncadd.s32 $0xFFFFD800  }
0x39: {  	[tilespmem:s16], [sflag:$0x1] =	stream.indirect.gather [hbm4b:s4+s15], $0x80, s22, s15, $0xb8;
	[tilespmem:$0x1F780] =	vst v63  }
0x3a: {  	_ =	swait.ge [sflag:s19], $0x2800  }
.Ltmp0:
0x3b: {  	[sflag:s19] =	ssyncset.done $0x0;
	(pc) =	sbr.rel @p0 .LBB2_2-.Ltmp0, $4  }
0x3c: {  	s25 =	sadd.s32 $0x16800, s26;
	[sflag:s19] =	ssyncadd.s32 $0xFFFFD800  }
0x3d: {  	[spmem:s1] =	stream.indirect.scatter.add.f32 [tilespmem:s17], [sflag:$0x3], $0x80, s25, s15, $0xb8;
	[tilespmem:$0x1F780] =	vst v63  }
0x3e: {  	_ =	swait.ge [sflag:s12], $0x2800  }
0x3f: {  	s22 =	sadd.s32 $0xA0, s22;
	[sflag:s12] =	ssyncset.done $0x0  }
0x40: {  	s24 =	sadd.s32 $0xFFFFFFB0, s22;
	[sflag:s12] =	ssyncadd.s32 $0xFFFFD800  }
0x41: {  	[tilespmem:s17], [sflag:$0x2] =	stream.indirect.gather [hbm4b:s4+s15], $0x80, s24, s15, $0xb8;
	[tilespmem:$0x1F780] =	vst v63  }
0x42: {  	_ =	swait.ge [sflag:s18], $0x2800  }
0x43: {  	s23 =	sshra.s32 s23, $0x2;
	[sflag:s18] =	ssyncset.done $0x0  }
0x44: {  	s30 =	sadd.s32 $0x16780, s23;
	[sflag:s18] =	ssyncadd.s32 $0xFFFFD800  }
0x45: {  	[spmem:s1] =	stream.indirect.scatter.add.f32 [tilespmem:s16], [sflag:$0x3], $0x80, s30, s15, $0xb8;
	[tilespmem:$0x1F780] =	vst v63  }
0x46: {  	_ =	swait.ge [sflag:s12], $0x2800  }
0x47: {  	[sflag:s12] =	ssyncset.done $0x0  }
0x48: {  	[sflag:s12] =	ssyncadd.s32 $0xFFFFD800  }
0x49: {  	[tilespmem:s16], [sflag:$0x1] =	stream.indirect.gather [hbm4b:s4+s15], $0x80, s22, s15, $0xb8;
	[tilespmem:$0x1F780] =	vst v63  }
0x4a: {  	_ =	swait.ge [sflag:s19], $0x2800  }
0x4b: {  	[sflag:s19] =	ssyncset.done $0x0  }
0x4c: {  	s31 =	sadd.s32 $0x16800, s23;
	[sflag:s19] =	ssyncadd.s32 $0xFFFFD800  }
0x4d: {  	[spmem:s1] =	stream.indirect.scatter.add.f32 [tilespmem:s17], [sflag:$0x3], $0x80, s31, s15, $0xb8;
	[tilespmem:$0x1F780] =	vst v63  }
0x4e: {  	_ =	swait.ge [sflag:s12], $0x2800  }
0x4f: {  	[sflag:s12] =	ssyncset.done $0x0  }
0x50: {  	[sflag:s12] =	ssyncadd.s32 $0xFFFFD800  }
0x51: {  	_ =	swait.ge [sflag:s18], $0x2800  }
0x52: {  	[sflag:s18] =	ssyncset.done $0x0  }
0x53: {  	[sflag:s18] =	ssyncadd.s32 $0xFFFFD800  }
0x54: {  	[spmem:s1] =	stream.indirect.scatter.add.f32 [tilespmem:s16], [sflag:$0x3], $0x80, s20, s15, $0xb8;
	[tilespmem:$0x1F780] =	vst v63  }
0x55: {  	_ =	swait.ge [sflag:s12], $0x2800  }
0x56: {  	s21 =	sadd.s32 $0x1, s21;
	[sflag:s12] =	ssyncset.done $0x0  }
0x57: {  	p0 =	sne.s32 s21, s10;
	[sflag:s12] =	ssyncadd.s32 $0xFFFFD800  }
.Ltmp1:
0x58: {  	[bflag:$0x0] =	sbarrier.arrive $0xFFFF;
	(pc) =	sbr.rel @p0 .LBB2_1-.Ltmp1, $4  }
0x59: {  	[hbm:s9], [sflag:s6] =	dma.local [spmem:s11], $0x2800  }
0x5a: {  	_ =	swait.ge [sflag:s12], $0x2800  }
0x5b: {  	[sflag:s12] =	ssyncset.done $0x0  }
0x5c: {  	[sflag:s12] =	ssyncadd.s32 $0xFFFFD800  }
0x5d: {  	_ =	sfence.sel $0x180000  }
0x5e: {  	[bflag:$0x0] =	sbarrier.arrive $0xFFFF  }
0x5f: {  	p0 =	sne.s32 s2, $0x0;
	_ =	strace $0x9000004D  }
0x60: {  	s0 =	sadd.s32 @!p0 $0x100000, s0;
	[bflag:$0x2] =	sbarrier.arrive $0xFFFF  }
0x61: {  	[sflag:s0] =	ssyncadd.tile.s32 @!p0 $0x1;
	_ =	shalt  }
.Lfunc_end2:
_tile_overlayer_lowered:
.L_overlay_start_2:
0x62: {  	(tag) =	ssettag $0x2  }
0x63: {  	s0 =	rddreg [dreg:$0x0];
	s2 =	stileid.u32  }
0x64: {  	s1 =	rddreg [dreg:$0x1];
	p0 =	sne.s32 s2, $0x0  }
0x65: {  	s3 =	rddreg [dreg:$0x2];
	[bflag:$0x3] =	sbarrier.arrive $0xFFFF;
	s2 =	simm.s32 @!p0 $0x1C03  }
0x66: {  	[timem:s3], [sflag:s2] =	dma.local @!p0 [hbm:s0], s1  }
0x67: {  	s0 =	simm.s32 @!p0 $0x3  }
0x68: {  	_ =	swait.ge @!p0 [sflag:s0], s1  }
0x69: {  	s1 =	ssub.s32 @!p0 $0x0, s1;
	[sflag:s0] =	ssyncset.done @!p0 $0x0  }
0x6a: {  	[sflag:s0] =	ssyncadd.s32 @!p0 s1  }
0x6b: {  	[bflag:$0x3] =	sbarrier.arrive $0xFFFF  }
0x6c: {  	_ =	shalt  }

// kernel: kernel.20.cloned.1.call-start
scs
__scs_entry_jumppad:
0x0: {  	(pc) =	sbr.rel $0x88, $3  }
0x1: {  	(tag) =	ssettag $0x0;
	lr =	simm.s32 $0x1  }
0x2: {  	[smem:$0x3F9E] =	sst lr;
	_ =	strace $0xD0000000  }
0x3: {  	_ = 	snop  }
0x4: {  	_ = 	snop  }
0x5: {  	_ = 	snop  }
0x6: {  	_ = 	snop  }
0x7: {  	_ = 	snop  }
__scs_overlays_trampoline_lowered:
0x8: {  	[smem:$0x3FAD] =	sst s0  }
0x9: {  	[smem:$0x3FAE] =	sst s1  }
0xa: {  	[smem:$0x3FAF] =	sst s2  }
0xb: {  	[smem:$0x3FB0] =	sst s3  }
0xc: {  	[smem:$0x3FB1] =	sst s4  }
0xd: {  	[smem:$0x3FB2] =	sst s5  }
0xe: {  	[smem:$0x3FB3] =	sst s6  }
0xf: {  	[smem:$0x3FB4] =	sst s7  }
0x10: {  	[smem:$0x3FB5] =	sst s8  }
0x11: {  	[smem:$0x3FB6] =	sst s9;
	s0 =	simm.s32 @!p0 $0x0  }
0x12: {  	s1 =	sld [smem:$0x3F9C];
	s0 =	simm.s32 @p0 $0x1  }
0x13: {  	[smem:$0x3FB7] =	sst s0;
	s0 =	simm.s32 @!p1 $0x0  }
0x14: {  	s2 =	sld [smem:$0x3F9B];
	s0 =	simm.s32 @p1 $0x1  }
0x15: {  	[smem:$0x3FB8] =	sst s0;
	s0 =	simm.s32 @!p2 $0x0  }
0x16: {  	s3 =	sld [smem:$0x3FDB];
	s0 =	simm.s32 @p2 $0x1  }
0x17: {  	s4 =	simm.s32 $0x1BF5;
	[smem:$0x3FBA] =	sst s0  }
0x18: {  	s0 =	sld [smem:$0x3F9D];
	_ =	swait.ge [sflag:s4], $0x0  }
0x19: {  	s7 =	sld [smem:$0x3F9E]  }
0x1a: {  	s8 =	sadd.s32 $0xFFFFE003, lr  }
0x1b: {  	s9 =	sadd.s32 $0xFFFFFEF7, lr;
	s5 =	simm.s32 $0xFFFFFFFF;
	p2 =	slt.u32 s8, $0xFFFFF086  }
0x1c: {  	p1 =	slt.u32 s9, $0xF7A;
	s5 =	simm.s32 @!p2 $0x0  }
0x1d: {  	s5 =	simm.s32 @p1 $0x1;
	p0 =	seq.s32 s7, s2  }
0x1e: {  	s7 =	smul.u32 @!p0 $0xF7A, s2;
	p2 =	seq.s32 @!p0 s5, $0x0  }
0x1f: {  	s9 =	smul.u32 $0xF7A, s1;
	s8 =	simm.s32 @!p0 $0x1BF5;
	p2 =	por !p2, p0  }
0x20: {  	[sflag:s8] =	ssyncset.s32 @!p0 $0xFFFFF086;
	s6 =	sadd.s32 @!p0 s3, s7;
	s7 =	simm.s32 @!p0 $0x108  }
0x21: {  	s3 =	sadd.s32 s3, s9;
	s6 =	sadd.s32 @!p0 $0x88, s6;
	s7 =	simm.s32 @p2 $0x1082  }
0x22: {  	[simem:s7], [sflag:s8] =	dma.local @!p0 [hbm:s6], $0xF7A  }
0x23: {  	s9 =	sor.u32 $0xD0000000, s2;
	s6 =	simm.s32 $0x108;
	_ =	swait.ge @!p0 [sflag:s8], $0x0  }
0x24: {  	s3 =	sadd.s32 $0x88, s3;
	s6 =	simm.s32 @!p1 $0x1082;
	[sflag:s4] =	ssyncset.s32 $0xFFFFF086  }
0x25: {  	[simem:s6], [sflag:s4] =	dma.local [hbm:s3], $0xF7A  }
0x26: {  	[smem:$0x3F9E] =	sst s1;
	(tag) =	ssettag s2;
	_ =	strace s9  }
0x27: {  	s1 =	sld [smem:$0x3FAE]  }
0x28: {  	s2 =	sld [smem:$0x3FAF]  }
0x29: {  	s4 =	sld [smem:$0x3FB1]  }
0x2a: {  	p0 =	seq.s32 s5, $0x0;
	s5 =	sld [smem:$0x3FB2]  }
0x2b: {  	s6 =	sld [smem:$0x3FB3]  }
0x2c: {  	s7 =	sld [smem:$0x3FB4]  }
0x2d: {  	s3 =	simm.s32 $0x108;
	s8 =	sld [smem:$0x3FB5]  }
0x2e: {  	s3 =	simm.s32 @!p0 $0x1082;
	s9 =	sld [smem:$0x3FB6]  }
0x2f: {  	lr =	sadd.s32 s0, s3;
	s0 =	sld [smem:$0x3FAD]  }
0x30: {  	s3 =	sld [smem:$0x3FB0]  }
0x31: {  	[smem:$0x3FB9] =	sst s10  }
0x32: {  	s10 =	sld [smem:$0x3FB7];
	_ =	sdelay $0x3  }
0x33: {  	p0 =	seq.s32 s10, $0x1;
	s10 =	sld [smem:$0x3FB9];
	_ =	sdelay $0x3  }
0x34: {  	[smem:$0x3FB9] =	sst s10  }
0x35: {  	s10 =	sld [smem:$0x3FB8];
	_ =	sdelay $0x3  }
0x36: {  	p1 =	seq.s32 s10, $0x1;
	s10 =	sld [smem:$0x3FB9];
	_ =	sdelay $0x3  }
0x37: {  	[smem:$0x3FB9] =	sst s10  }
0x38: {  	s10 =	sld [smem:$0x3FBA]  }
0x39: {  	_ = 	snop;
	(pc) =	sbr.ind lr, $3  }
0x3a: {  	_ = 	snop  }
0x3b: {  	_ = 	snop  }
0x3c: {  	p2 =	seq.s32 s10, $0x1;
	s10 =	sld [smem:$0x3FB9]  }
0x3d: {  	_ =	shalt  }
0x3e: {  	_ =	shalt  }
0x3f: {  	_ =	shalt  }
0x40: {  	_ =	shalt  }
0x41: {  	_ =	shalt  }
0x42: {  	_ =	shalt  }
0x43: {  	_ =	shalt  }
0x44: {  	_ =	shalt  }
0x45: {  	_ =	shalt  }
0x46: {  	_ =	shalt  }
0x47: {  	_ =	shalt  }
0x48: {  	_ =	shalt  }
0x49: {  	_ =	shalt  }
0x4a: {  	_ =	shalt  }
0x4b: {  	_ =	shalt  }
0x4c: {  	_ =	shalt  }
0x4d: {  	_ =	shalt  }
0x4e: {  	_ =	shalt  }
0x4f: {  	_ =	shalt  }
0x50: {  	_ =	shalt  }
0x51: {  	_ =	shalt  }
0x52: {  	_ =	shalt  }
0x53: {  	_ =	shalt  }
0x54: {  	_ =	shalt  }
0x55: {  	_ =	shalt  }
0x56: {  	_ =	shalt  }
0x57: {  	_ =	shalt  }
0x58: {  	_ =	shalt  }
0x59: {  	_ =	shalt  }
0x5a: {  	_ =	shalt  }
0x5b: {  	_ =	shalt  }
0x5c: {  	_ =	shalt  }
0x5d: {  	_ =	shalt  }
0x5e: {  	_ =	shalt  }
0x5f: {  	_ =	shalt  }
0x60: {  	_ =	shalt  }
0x61: {  	_ =	shalt  }
0x62: {  	_ =	shalt  }
0x63: {  	_ =	shalt  }
0x64: {  	_ =	shalt  }
0x65: {  	_ =	shalt  }
0x66: {  	_ =	shalt  }
0x67: {  	_ =	shalt  }
0x68: {  	_ =	shalt  }
0x69: {  	_ =	shalt  }
0x6a: {  	_ =	shalt  }
0x6b: {  	_ =	shalt  }
0x6c: {  	_ =	shalt  }
0x6d: {  	_ =	shalt  }
0x6e: {  	_ =	shalt  }
0x6f: {  	_ =	shalt  }
0x70: {  	_ =	shalt  }
0x71: {  	_ =	shalt  }
0x72: {  	_ =	shalt  }
0x73: {  	_ =	shalt  }
0x74: {  	_ =	shalt  }
0x75: {  	_ =	shalt  }
0x76: {  	_ =	shalt  }
0x77: {  	_ =	shalt  }
0x78: {  	_ =	shalt  }
0x79: {  	_ =	shalt  }
0x7a: {  	_ =	shalt  }
0x7b: {  	_ =	shalt  }
0x7c: {  	_ =	shalt  }
0x7d: {  	_ =	shalt  }
0x7e: {  	_ =	shalt  }
0x7f: {  	_ =	shalt  }
0x80: {  	_ =	shalt  }
0x81: {  	_ =	shalt  }
0x82: {  	_ =	shalt  }
0x83: {  	_ =	shalt  }
0x84: {  	_ =	shalt  }
0x85: {  	_ =	shalt  }
0x86: {  	_ =	shalt  }
0x87: {  	_ =	shalt  }
.Lfunc_end0:
.L_simem_size_0:
called_computation.3_lowered:
.L_overlay_start_0:
0x88: {  	s2 =	sld [smem:$0x3FD9]  }
0x89: {  	s3 =	sld [smem:$0x3FFE];
	_ =	sdelay $0x1  }
0x8a: {  	s1 =	srdreg.scid  }
0x8b: {  	s0 =	sand.u32 $0x1, s1  }
0x8c: {  	s14 =	sshll.u32 s0, $0xA;
	s2 =	sadd.s32 s3, s2  }
0x8d: {  	s2 =	sadd.s32 s2, s14  }
0x8e: {  	[smem:$0x3FC5] =	sst s2  }
0x8f: {  	_ = 	snop  }
0x90: {  	s2 =	sld [smem:$0x3FD0];
	_ =	sdelay $0x2  }
0x91: {  	s15 =	simm.s32 $0xA;
	s4 =	simm.s32 $0x10  }
0x92: {  	[smem:s4], [sflag:s15] =	dma.local [hbm:s2], $0x1  }
0x93: {  	_ =	swait.eq [sflag:s15], $0x1  }
0x94: {  	[sflag:s15] =	ssyncset.done $0x0  }
0x95: {  	[sflag:s15] =	ssyncadd.s32 $0xFFFFFFFF  }
0x96: {  	s16 =	sld [smem:$0x10];
	(tm) =	ssettm $0x1  }
0x97: {  	s17 =	sld [smem:$0x3FFB];
	_ =	sdelay $0x3  }
0x98: {  	_ =	strace s17  }
0x99: {  	s3 =	sld [smem:$0x3FFC];
	_ =	sdelay $0x3  }
0x9a: {  	_ =	strace s3  }
0x9b: {  	s3 =	sld [smem:$0x3FFD];
	_ =	sdelay $0x3  }
0x9c: {  	_ =	strace s3  }
0x9d: {  	_ =	strace $0x8FFFFFFF  }
0x9e: {  	s18 =	sld [smem:$0x3FDB];
	_ =	sdelay $0x1  }
0x9f: {  	s19 =	simm.s32 $_scs_section_size  }
0xa0: {  	s5 =	simm.s32 $_size__tile_overlayer_lowered;
	s6 =	simm.s32 $_tile_overlayer_lowered  }
0xa1: {  	s22 =	simm.s32 $0x1BFF;
	s21 =	sshll.u32 s6, $0x1;
	s3 =	sadd.s32 s19, s18  }
0xa2: {  	s7 =	simm.s32 $0x0;
	s20 =	sshll.u32 s5, $0x1;
	s5 =	sadd.s32 s21, s3  }
0xa3: {  	[timem:s7], [sflag:s22] =	dma.local [hbm:s5], s20  }
0xa4: {  	_ =	swait.ge [sflag:s22], s20  }
0xa5: {  	s4 =	ssub.s32 $0x0, s20;
	[sflag:s22] =	ssyncset.done $0x0  }
0xa6: {  	[sflag:s22] =	ssyncadd.s32 s4;
	_ =	sdelay $0x1  }
0xa7: {  	s23 =	simm.s32 $0x1B8B  }
0xa8: {  	_ =	swait.ge [sflag:s23], $0x1  }
0xa9: {  	[sflag:s23] =	ssyncset.done $0x0  }
0xaa: {  	s25 =	simm.s32 $0x1B8E;
	s24 =	sld [smem:$0x3FFE];
	[sflag:s23] =	ssyncadd.s32 $0xFFFFFFFF  }
0xab: {  	s26 =	simm.s32 $execute0_lowered;
	[smem:$0x3FD2] =	sst s25  }
0xac: {  	s5 =	sshll.u32 s26, $0x1;
	_ =	strace $0x8000004F;
	[dreg:$0x1] =	wrdreg $0xFFFFFFFF  }
0xad: {  	s28 =	simm.s32 $_size_execute0_lowered;
	s3 =	sadd.s32 s3, s5;
	[dreg:$0x0] =	wrdreg $0x0  }
0xae: {  	s5 =	sshll.u32 s28, $0x1;
	[dreg:$0x2] =	wrdreg s3  }
0xaf: {  	[dreg:$0x3] =	wrdreg s5  }
0xb0: {  	[dreg:$0x4] =	wrdreg $0xC0  }
0xb1: {  	_ =	task [dreg:s7], $0x5FFFF  }
0xb2: {  	[dreg:$0x1] =	wrdreg $0xFFFFFFFF  }
0xb3: {  	[dreg:$0x0] =	wrdreg $0x60  }
0xb4: {  	[dreg:$0x2] =	wrdreg s24  }
0xb5: {  	[dreg:$0x3] =	wrdreg s16  }
0xb6: {  	[dreg:$0x4] =	wrdreg $0x0  }
0xb7: {  	[dreg:$0x5] =	wrdreg $0x9  }
0xb8: {  	_ =	task.clear_ibuf [dreg:s7], $0x6FFFF;
	_ =	strace $0x9000004F  }
0xb9: {  	s29 =	simm.s32 $0x9;
	_ =	strace $0x80000051  }
0xba: {  	_ =	swait.ge [sflag:s29], $0x1  }
0xbb: {  	[sflag:s29] =	ssyncadd.s32 $0xFFFFFFFF  }
0xbc: {  	_ =	strace $0x90000051  }
0xbd: {  	_ =	sfence  }
0xbe: {  	s30 =	sld [smem:$0x0];
	_ =	sdelay $0x2  }
0xbf: {  	s31 =	sshll.u32 s1, $0xD;
	s1 =	sshrl.u32 s1, $0x2  }
0xc0: {  	s3 =	sand.u32 $0x4000, s31;
	s1 =	sadd.s32 s1, s30  }
0xc1: {  	s0 =	sor.u32 s3, s0;
	s1 =	sshll.u32 s1, $0x11  }
0xc2: {  	s0 =	sor.u32 s1, s0  }
0xc3: {  	s0 =	sadd.s32 $0x8F2B, s0  }
0xc4: {  	[sflag:s0] =	ssyncadd.remote.s32 $0x1  }
0xc5: {  	_ =	sfence.sel $0xFFFF  }
0xc6: {  	[dreg:$0x0] =	wrdreg $0xFFFFFFFF;
	(pc) =	sbr.abs _section_cstart, $3  }
0xc7: {  	[dreg:$0x1] =	wrdreg $0xFFFFFFFF  }
0xc8: {  	_ =	task.clear_ibuf [dreg:s7], $0x2FFFF;
	_ =	strace $0x9FFFFFFF  }
0xc9: {  	(tm) =	ssettm $0x7FFFFFFF  }
tec
execute0_lowered:
.L_overlay_start_1:
0x0: {  	(tag) =	ssettag $0x1  }
0x1: {  	s5 =	rddreg [dreg:$0x0]  }
0x2: {  	s7 =	rddreg [dreg:$0x1]  }
0x3: {  	s1 =	rddreg [dreg:$0x2]  }
0x4: {  	s2 =	srdreg.scid;
	s0 =	rddreg [dreg:$0x3];
	s3 =	simm.s32 $0x0  }
0x5: {  	s14 =	simm.s32 $0x16780;
	s15 =	simm.s32 $0x50;
	s16 =	simm.s32 $0x1A780  }
0x6: {  	s17 =	simm.s32 $0x1CF80;
	s18 =	simm.s32 $0x1;
	s19 =	simm.s32 $0x2  }
0x7: {  	s20 =	simm.s32 $0x1A580;
	s6 =	sand.u32 $0x1, s2;
	s2 =	stileid.u32  }
0x8: {  	s21 =	simm.s32 $0x0;
	[smem:$0x7FF] =	sst s3;
	s9 =	smul.u32 $0x2800, s2  }
0x9: {  	s4 =	sshll.u32 s6, $0x4;
	_ =	strace $0x80000050;
	s11 =	smul.u32 $0x28000, s6  }
0xa: {  	s6 =	ssub.s32 $0x2, s6;
	s13 =	smul.u32 $0x50000, s2;
	s31 =	sshll.u32 s2, $0x6  }
0xb: {  	s8 =	sor.u32 s2, s4;
	s4 =	sadd.s32 $0x12600, s5;
	s12 =	sshrl.u32 s6, $0x1  }
0xc: {  	s10 =	sshll.u32 s8, $0xB;
	s11 =	sadd.s32 s9, s11;
	s9 =	sadd.s32 s9, s5  }
0xd: {  	s12 =	ssub.s32 s6, s12;
	s30 =	sshrl.u32 s13, $0x2;
	s8 =	smul.u32 $0x4E2, s8  }
0xe: {  	s6 =	sor.u32 $0x1C03, s31;
	s10 =	sadd.s32 s10, s5;
	s11 =	sadd.s32 s11, s5  }
0xf: {  	s13 =	sadd.s32 s30, s1;
	s5 =	sadd.s32 $0x60A00, s9;
	s7 =	sadd.s32 s7, s8  }
0x10: {  	s8 =	sadd.s32 $0x2600, s10;
	s9 =	sadd.s32 $0x88A00, s11;
	s10 =	smax.u32 s12, $0x1  }
0x11: {  	s11 =	sshrl.u32 s13, $0x3;
	s12 =	simm.s32 $0x3;
	s13 =	simm.s32 $0x14000  }
.LBB2_1:
0x12: {  	[spmem:s11], [sflag:s6] =	dma.local [hbm:s5], $0x2800  }
0x13: {  	_ =	swait.ge [sflag:s12], $0x2800  }
0x14: {  	[sflag:s12] =	ssyncset.done $0x0  }
0x15: {  	[sflag:s12] =	ssyncadd.s32 $0xFFFFD800  }
0x16: {  	[tilespmem:s13], [sflag:$0x3] =	stream.linear.gather [hbm4b:s7+s3], $0x2710, $0x38;
	[tilespmem:$0x1F780] =	vst v63  }
0x17: {  	_ =	swait.ge [sflag:s12], $0x2710  }
0x18: {  	[sflag:s12] =	ssyncset.done $0x0  }
0x19: {  	[sflag:s12] =	ssyncadd.s32 $0xFFFFD8F0  }
0x1a: {  	[tilespmem:s14], [sflag:$0x3] =	stream.linear.gather [hbm4b:s8+s3], $0x3E80, $0x38;
	[tilespmem:$0x1F780] =	vst v63  }
0x1b: {  	_ =	swait.ge [sflag:s12], $0x3E80  }
0x1c: {  	[sflag:s12] =	ssyncset.done $0x0  }
0x1d: {  	[sflag:s12] =	ssyncadd.s32 $0xFFFFC180  }
0x1e: {  	[bflag:$0x0] =	sbarrier.arrive $0xFFFF  }
0x1f: {  	[tilespmem:s16], [sflag:$0x1] =	stream.indirect.gather [hbm4b:s4+s15], $0x80, s13, s15, $0xb8;
	[tilespmem:$0x1F780] =	vst v63  }
0x20: {  	s22 =	simm.s32 $0x14050  }
0x21: {  	[tilespmem:s17], [sflag:$0x2] =	stream.indirect.gather [hbm4b:s4+s15], $0x80, s22, s15, $0xb8;
	[tilespmem:$0x1F780] =	vst v63  }
0x22: {  	_ =	swait.ge [sflag:s18], $0x2800  }
0x23: {  	[sflag:s18] =	ssyncset.done $0x0  }
0x24: {  	s29 =	simm.s32 $0x16780;
	[sflag:s18] =	ssyncadd.s32 $0xFFFFD800  }
0x25: {  	[spmem:s1] =	stream.indirect.scatter.add.f32 [tilespmem:s16], [sflag:$0x3], $0x80, s29, s15, $0xb8;
	[tilespmem:$0x1F780] =	vst v63  }
0x26: {  	_ =	swait.ge [sflag:s12], $0x2800  }
0x27: {  	[sflag:s12] =	ssyncset.done $0x0  }
0x28: {  	s30 =	simm.s32 $0x140A0;
	[sflag:s12] =	ssyncadd.s32 $0xFFFFD800  }
0x29: {  	[tilespmem:s16], [sflag:$0x1] =	stream.indirect.gather [hbm4b:s4+s15], $0x80, s30, s15, $0xb8;
	[tilespmem:$0x1F780] =	vst v63  }
0x2a: {  	_ =	swait.ge [sflag:s19], $0x2800  }
0x2b: {  	[sflag:s19] =	ssyncset.done $0x0  }
0x2c: {  	s31 =	simm.s32 $0x16800;
	[sflag:s19] =	ssyncadd.s32 $0xFFFFD800  }
0x2d: {  	[spmem:s1] =	stream.indirect.scatter.add.f32 [tilespmem:s17], [sflag:$0x3], $0x80, s31, s15, $0xb8;
	[tilespmem:$0x1F780] =	vst v63  }
0x2e: {  	s23 =	simm.s32 $0x400;
	_ =	swait.ge [sflag:s12], $0x2800  }
0x2f: {  	s24 =	simm.s32 $0x800;
	s22 =	simm.s32 $0x14140;
	[sflag:s12] =	ssyncset.done $0x0  }
.LBB2_2:
0x30: {  	p0 =	sne.s32 s24, $0xF400;
	s25 =	sadd.s32 $0xFFFFFFB0, s22;
	[sflag:s12] =	ssyncadd.s32 $0xFFFFD800  }
0x31: {  	[tilespmem:s17], [sflag:$0x2] =	stream.indirect.gather [hbm4b:s4+s15], $0x80, s25, s15, $0xb8;
	[tilespmem:$0x1F780] =	vst v63  }
0x32: {  	s25 =	smov.u32 s24;
	s24 =	sadd.s32 $0x400, s24;
	_ =	swait.ge [sflag:s18], $0x2800  }
0x33: {  	s26 =	sshra.s32 s23, $0x2;
	s23 =	smov.u32 s25;
	[sflag:s18] =	ssyncset.done $0x0  }
0x34: {  	s25 =	sadd.s32 $0x16780, s26;
	[sflag:s18] =	ssyncadd.s32 $0xFFFFD800  }
0x35: {  	[spmem:s1] =	stream.indirect.scatter.add.f32 [tilespmem:s16], [sflag:$0x3], $0x80, s25, s15, $0xb8;
	[tilespmem:$0x1F780] =	vst v63  }
0x36: {  	_ =	swait.ge [sflag:s12], $0x2800  }
0x37: {  	[sflag:s12] =	ssyncset.done $0x0  }
0x38: {  	[sflag:s12] =	ssyncadd.s32 $0xFFFFD800  }
0x39: {  	[tilespmem:s16], [sflag:$0x1] =	stream.indirect.gather [hbm4b:s4+s15], $0x80, s22, s15, $0xb8;
	[tilespmem:$0x1F780] =	vst v63  }
0x3a: {  	_ =	swait.ge [sflag:s19], $0x2800  }
.Ltmp0:
0x3b: {  	[sflag:s19] =	ssyncset.done $0x0;
	(pc) =	sbr.rel @p0 .LBB2_2-.Ltmp0, $4  }
0x3c: {  	s25 =	sadd.s32 $0x16800, s26;
	[sflag:s19] =	ssyncadd.s32 $0xFFFFD800  }
0x3d: {  	[spmem:s1] =	stream.indirect.scatter.add.f32 [tilespmem:s17], [sflag:$0x3], $0x80, s25, s15, $0xb8;
	[tilespmem:$0x1F780] =	vst v63  }
0x3e: {  	_ =	swait.ge [sflag:s12], $0x2800  }
0x3f: {  	s22 =	sadd.s32 $0xA0, s22;
	[sflag:s12] =	ssyncset.done $0x0  }
0x40: {  	s24 =	sadd.s32 $0xFFFFFFB0, s22;
	[sflag:s12] =	ssyncadd.s32 $0xFFFFD800  }
0x41: {  	[tilespmem:s17], [sflag:$0x2] =	stream.indirect.gather [hbm4b:s4+s15], $0x80, s24, s15, $0xb8;
	[tilespmem:$0x1F780] =	vst v63  }
0x42: {  	_ =	swait.ge [sflag:s18], $0x2800  }
0x43: {  	s23 =	sshra.s32 s23, $0x2;
	[sflag:s18] =	ssyncset.done $0x0  }
0x44: {  	s30 =	sadd.s32 $0x16780, s23;
	[sflag:s18] =	ssyncadd.s32 $0xFFFFD800  }
0x45: {  	[spmem:s1] =	stream.indirect.scatter.add.f32 [tilespmem:s16], [sflag:$0x3], $0x80, s30, s15, $0xb8;
	[tilespmem:$0x1F780] =	vst v63  }
0x46: {  	_ =	swait.ge [sflag:s12], $0x2800  }
0x47: {  	[sflag:s12] =	ssyncset.done $0x0  }
0x48: {  	[sflag:s12] =	ssyncadd.s32 $0xFFFFD800  }
0x49: {  	[tilespmem:s16], [sflag:$0x1] =	stream.indirect.gather [hbm4b:s4+s15], $0x80, s22, s15, $0xb8;
	[tilespmem:$0x1F780] =	vst v63  }
0x4a: {  	_ =	swait.ge [sflag:s19], $0x2800  }
0x4b: {  	[sflag:s19] =	ssyncset.done $0x0  }
0x4c: {  	s31 =	sadd.s32 $0x16800, s23;
	[sflag:s19] =	ssyncadd.s32 $0xFFFFD800  }
0x4d: {  	[spmem:s1] =	stream.indirect.scatter.add.f32 [tilespmem:s17], [sflag:$0x3], $0x80, s31, s15, $0xb8;
	[tilespmem:$0x1F780] =	vst v63  }
0x4e: {  	_ =	swait.ge [sflag:s12], $0x2800  }
0x4f: {  	[sflag:s12] =	ssyncset.done $0x0  }
0x50: {  	[sflag:s12] =	ssyncadd.s32 $0xFFFFD800  }
0x51: {  	_ =	swait.ge [sflag:s18], $0x2800  }
0x52: {  	[sflag:s18] =	ssyncset.done $0x0  }
0x53: {  	[sflag:s18] =	ssyncadd.s32 $0xFFFFD800  }
0x54: {  	[spmem:s1] =	stream.indirect.scatter.add.f32 [tilespmem:s16], [sflag:$0x3], $0x80, s20, s15, $0xb8;
	[tilespmem:$0x1F780] =	vst v63  }
0x55: {  	_ =	swait.ge [sflag:s12], $0x2800  }
0x56: {  	s21 =	sadd.s32 $0x1, s21;
	[sflag:s12] =	ssyncset.done $0x0  }
0x57: {  	p0 =	sne.s32 s21, s10;
	[sflag:s12] =	ssyncadd.s32 $0xFFFFD800  }
.Ltmp1:
0x58: {  	[bflag:$0x0] =	sbarrier.arrive $0xFFFF;
	(pc) =	sbr.rel @p0 .LBB2_1-.Ltmp1, $4  }
0x59: {  	[hbm:s9], [sflag:s6] =	dma.local [spmem:s11], $0x2800  }
0x5a: {  	_ =	swait.ge [sflag:s12], $0x2800  }
0x5b: {  	[sflag:s12] =	ssyncset.done $0x0  }
0x5c: {  	[sflag:s12] =	ssyncadd.s32 $0xFFFFD800  }
0x5d: {  	_ =	sfence.sel $0x180000  }
0x5e: {  	[bflag:$0x0] =	sbarrier.arrive $0xFFFF  }
0x5f: {  	p0 =	sne.s32 s2, $0x0;
	_ =	strace $0x90000050  }
0x60: {  	s0 =	sadd.s32 @!p0 $0x100000, s0;
	[bflag:$0x2] =	sbarrier.arrive $0xFFFF  }
0x61: {  	[sflag:s0] =	ssyncadd.tile.s32 @!p0 $0x1;
	_ =	shalt  }
.Lfunc_end2:
_tile_overlayer_lowered:
.L_overlay_start_2:
0x62: {  	(tag) =	ssettag $0x2  }
0x63: {  	s0 =	rddreg [dreg:$0x0];
	s2 =	stileid.u32  }
0x64: {  	s1 =	rddreg [dreg:$0x1];
	p0 =	sne.s32 s2, $0x0  }
0x65: {  	s3 =	rddreg [dreg:$0x2];
	[bflag:$0x3] =	sbarrier.arrive $0xFFFF;
	s2 =	simm.s32 @!p0 $0x1C03  }
0x66: {  	[timem:s3], [sflag:s2] =	dma.local @!p0 [hbm:s0], s1  }
0x67: {  	s0 =	simm.s32 @!p0 $0x3  }
0x68: {  	_ =	swait.ge @!p0 [sflag:s0], s1  }
0x69: {  	s1 =	ssub.s32 @!p0 $0x0, s1;
	[sflag:s0] =	ssyncset.done @!p0 $0x0  }
0x6a: {  	[sflag:s0] =	ssyncadd.s32 @!p0 s1  }
0x6b: {  	[bflag:$0x3] =	sbarrier.arrive $0xFFFF  }
0x6c: {  	_ =	shalt  }

</sc_bundles>
